<compile_context>
chip_gen: v7x
topology: tpu7x:2x2x1
jax: 0.10.2.dev20260603
libtpu: 0.0.44.dev20260713+nightly
codegen_flags: <defaults>
</compile_context>

<pallas_src>
import functools

import jax
import jax.numpy as jnp
from jax import lax
from jax.experimental import pallas as pl
from jax.experimental.pallas import tpu as pltpu
from jax.experimental.pallas import tpu_sc as plsc

N = 10000
E = 320000
D = 128
NT = 16
NC = 2
CH = 80
EPT = E // NT
NCHUNK = EPT // CH
NPAD = 10240
RPT = NPAD // NT
HALF = NPAD // 2
DUMP = HALF
ACC_ROWS = 5248
ACC_RPT = ACC_ROWS // NT
WPT = HALF // NT

_MESH2 = plsc.VectorSubcoreMesh(core_axis_name="c", subcore_axis_name="s")



def _deg_body(dsts_ref, zeros_ref, deg_ref, dstbuf, ones_v, deg_sh):
    c = lax.axis_index("c")
    s = lax.axis_index("s")
    base = pl.multiple_of(s * RPT, 8)
    pltpu.sync_copy(zeros_ref, deg_sh.at[pl.ds(base, RPT)])
    for k in range(CH // 16):
        ones_v[pl.ds(k * 16, 16)] = jnp.full((16,), 1.0, jnp.float32)
    pltpu.sync_copy(dsts_ref.at[c, s], dstbuf)
    plsc.subcore_barrier()

    def chunk(j, carry):
        pltpu.sync_copy(ones_v, deg_sh.at[dstbuf.at[j]], add=True)
        return carry

    lax.fori_loop(0, NCHUNK, chunk, 0)
    plsc.subcore_barrier()
    pltpu.sync_copy(deg_sh.at[pl.ds(base, RPT)], deg_ref.at[c, pl.ds(base, RPT)])


_deg_kernel = functools.partial(
    pl.kernel,
    out_type=jax.ShapeDtypeStruct((NC, NPAD), jnp.float32),
    mesh=_MESH2,
    scratch_types=[
        pltpu.VMEM((NCHUNK, CH), jnp.int32),
        pltpu.VMEM((CH,), jnp.float32),
        pltpu.VMEM_SHARED((NPAD,), jnp.float32),
    ],
)(_deg_body)



def _hs_body(x_ref, w_ref, deg_ref, hs_ref):
    h = jnp.dot(x_ref[...], w_ref[...], preferred_element_type=jnp.float32)
    hs_ref[...] = h * lax.rsqrt(deg_ref[...] + 1.0)


def _hs_call(x_flat, W, deg_flat):
    return pl.pallas_call(
        _hs_body,
        grid=(2 * N // 200,),
        in_specs=[
            pl.BlockSpec((200, D), lambda i: (i, 0)),
            pl.BlockSpec((D, D), lambda i: (0, 0)),
            pl.BlockSpec((200, 1), lambda i: (i, 0)),
        ],
        out_specs=pl.BlockSpec((200, D), lambda i: (i, 0)),
        out_shape=jax.ShapeDtypeStruct((2 * N, D), jnp.float32),
    )(x_flat, W, deg_flat)



def _acc_body(hs_ref, srcs_ref, dst0_ref, dst1_ref, zeros_ref, acc_ref,
              srcbuf, dstb, rows0, rows1, acc_sh, semg0, semg1):
    c = lax.axis_index("c")
    s = lax.axis_index("s")
    base = pl.multiple_of(s * ACC_RPT, 8)
    pltpu.sync_copy(srcs_ref.at[c, s], srcbuf)

    for p, dstp_ref in ((0, dst0_ref), (1, dst1_ref)):
        pltpu.sync_copy(dstp_ref.at[c, s], dstb)
        pltpu.sync_copy(zeros_ref, acc_sh.at[pl.ds(base, ACC_RPT)])
        plsc.subcore_barrier()

        pltpu.async_copy(hs_ref.at[srcbuf.at[0]], rows0, semg0)
        pltpu.async_copy(hs_ref.at[srcbuf.at[1]], rows1, semg1)

        def chunk(i, carry):
            for (par, rows, semg) in ((0, rows0, semg0), (1, rows1, semg1)):
                j = 2 * i + par
                pltpu.make_async_copy(hs_ref.at[srcbuf.at[j]], rows,
                                      semg).wait()
                pltpu.sync_copy(rows, acc_sh.at[dstb.at[j]], add=True)

                @pl.when(j + 2 < NCHUNK)
                def _():
                    pltpu.async_copy(hs_ref.at[srcbuf.at[j + 2]], rows, semg)

            return carry

        lax.fori_loop(0, NCHUNK // 2, chunk, 0)
        plsc.subcore_barrier()
        wbase = pl.multiple_of(s * WPT, 8)
        pltpu.sync_copy(acc_sh.at[pl.ds(wbase, WPT)],
                        acc_ref.at[c, p, pl.ds(wbase, WPT)])


_acc_kernel = functools.partial(
    pl.kernel,
    out_type=jax.ShapeDtypeStruct((NC, 2, HALF, D), jnp.float32),
    mesh=_MESH2,
    scratch_types=[
        pltpu.VMEM((NCHUNK, CH), jnp.int32),
        pltpu.VMEM((NCHUNK, CH), jnp.int32),
        pltpu.VMEM((CH, D), jnp.float32),
        pltpu.VMEM((CH, D), jnp.float32),
        pltpu.VMEM_SHARED((ACC_ROWS, D), jnp.float32),
        pltpu.SemaphoreType.DMA,
        pltpu.SemaphoreType.DMA,
    ],
)(_acc_body)



def _fin_body(acc_ref, hs1_ref, hs2_ref, deg1_ref, deg2_ref, b_ref,
              out1_ref, out2_ref):
    bvec = b_ref[...]
    for acc, hsr, degr, outr in ((acc_ref[0], hs1_ref, deg1_ref, out1_ref),
                                 (acc_ref[1], hs2_ref, deg2_ref, out2_ref)):
        dinv = lax.rsqrt(degr[...] + 1.0)
        v = dinv * (acc + hsr[...]) + bvec
        n = jnp.sqrt(jnp.sum(v * v, axis=1, keepdims=True))
        outr[...] = v / jnp.maximum(n, 1e-12)


def _fin_call(accv, hs, deg_flat, b2):
    nb = N // 80

    return pl.pallas_call(
        _fin_body,
        grid=(nb,),
        in_specs=[
            pl.BlockSpec((2, 80, D), lambda r: (0, r, 0)),
            pl.BlockSpec((80, D), lambda r: (r, 0)),
            pl.BlockSpec((80, D), lambda r: (nb + r, 0)),
            pl.BlockSpec((80, 1), lambda r: (r, 0)),
            pl.BlockSpec((80, 1), lambda r: (nb + r, 0)),
            pl.BlockSpec((1, D), lambda r: (0, 0)),
        ],
        out_specs=[
            pl.BlockSpec((80, D), lambda r: (r, 0)),
            pl.BlockSpec((80, D), lambda r: (r, 0)),
        ],
        out_shape=[
            jax.ShapeDtypeStruct((N, D), jnp.float32),
            jax.ShapeDtypeStruct((N, D), jnp.float32),
        ],
    )(accv, hs, hs, deg_flat, deg_flat, b2)


def kernel(x1, x2, edge_index1, edge_index2, W, b):
    dst_all = jnp.stack([edge_index1[1], edge_index2[1]])
    dsts = dst_all.reshape(NC, NT, NCHUNK, CH)
    srcs = jnp.stack([edge_index1[0], edge_index2[0] + N]).reshape(NC, NT, NCHUNK, CH)
    dst0 = jnp.where(dst_all < HALF, dst_all, DUMP).reshape(NC, NT, NCHUNK, CH)
    dst1 = jnp.where(dst_all >= HALF, dst_all - HALF, DUMP).reshape(NC, NT, NCHUNK, CH)
    zeros_deg = jnp.zeros((RPT,), jnp.float32)
    zeros_rows = jnp.zeros((ACC_RPT, D), jnp.float32)

    deg = _deg_kernel(dsts, zeros_deg)
    deg_flat = deg[:, :N].reshape(2 * N, 1)
    x_flat = jnp.concatenate([x1, x2], axis=0)
    hs = _hs_call(x_flat, W, deg_flat)
    accp = _acc_kernel(hs, srcs, dst0, dst1, zeros_rows)
    accv = accp.reshape(NC, 2 * HALF, D)
    return _fin_call(accv, hs, deg_flat, b.reshape(1, D))

# --- scband reference (transcript-rebuilt; emitter-appended) ---
"""Pipeline reference for scband-gcn-67654324846801 (READ-ONLY COPY).

The authoritative reference and input builder live on the scoring server;
editing this copy changes nothing except your own understanding.
"""

import jax, jax.numpy as jnp
import numpy as np

N = 10000
E = 320000
D_IN = 128
D_OUT = 128


def setup_inputs(seed: int = 0) -> dict:
    key = jax.random.key(seed)
    k1, k2, k3, k4, k5 = jax.random.split(key, 5)
    x1 = jax.random.normal(k1, (N, D_IN), dtype=jnp.float32)
    x2 = jax.random.normal(k2, (N, D_IN), dtype=jnp.float32)
    edge_index1 = jax.random.randint(k3, (2, E), 0, N, dtype=jnp.int32)
    edge_index2 = jax.random.randint(k4, (2, E), 0, N, dtype=jnp.int32)
    # GCNConv linear weight + bias (shared gcn_in layer applied to both graphs)
    W = jax.random.normal(k5, (D_IN, D_OUT), dtype=jnp.float32) * (1.0 / np.sqrt(D_IN))
    b = jnp.zeros((D_OUT,), dtype=jnp.float32)
    return {"x1": x1, "x2": x2, "edge_index1": edge_index1, "edge_index2": edge_index2, "W": W, "b": b}


def gcn_conv(x, edge_index, W, b):
    # torch_geometric GCNConv: add self-loops, symmetric degree normalization,
    # linear transform, sum-aggregate messages at dst, then add bias.
    src = edge_index[0]
    dst = edge_index[1]
    loop = jnp.arange(N, dtype=src.dtype)
    src = jnp.concatenate([src, loop])
    dst = jnp.concatenate([dst, loop])
    deg = jnp.zeros((N,), dtype=x.dtype).at[dst].add(1.0)
    dinv = jnp.where(deg > 0, 1.0 / jnp.sqrt(deg), 0.0)
    norm = dinv[src] * dinv[dst]
    h = x @ W
    msg = h[src] * norm[:, None]
    out = jnp.zeros((N, h.shape[1]), dtype=x.dtype).at[dst].add(msg)
    return out + b


def l2_normalize(x, eps=1e-12):
    n = jnp.sqrt(jnp.sum(x * x, axis=-1, keepdims=True))
    return x / jnp.maximum(n, eps)


def reference(x1, x2, edge_index1, edge_index2, W, b):
    # num_layers=1 -> only gcn_in applied to each graph, then F.normalize(p=2)
    h1 = gcn_conv(x1, edge_index1, W, b)
    h2 = gcn_conv(x2, edge_index2, W, b)
    return (l2_normalize(h1), l2_normalize(h2))

if __name__ == "__main__":
    import jax
    _d = setup_inputs()
    print(jax.jit(kernel)(*tuple(_d.values())))

</pallas_src>

<mosaic_0001>
#map = affine_map<(d0, d1) -> (0, 0, 0, 0)>
#map1 = affine_map<(d0, d1) -> (0)>
#map2 = affine_map<(d0, d1) -> (0, 0)>
module attributes {stable_mosaic.version = 14 : i64} {
  func.func @_deg_body(%arg0: i32, %arg1: i32, %arg2: memref<2x16x250x80xi32, #tpu.memory_space<hbm>>, %arg3: memref<640xf32, #tpu.memory_space<hbm>>, %arg4: memref<2x10240xf32, #tpu.memory_space<hbm>>, %arg5: memref<250x80xi32, #tpu.memory_space<vmem>>, %arg6: memref<80xf32, #tpu.memory_space<vmem>>, %arg7: memref<10240xf32, #tpu.memory_space<vmem_shared>>) attributes {dimension_semantics = [#tpu.dimension_semantics<core_parallel>, #tpu.dimension_semantics<subcore_parallel>], iteration_bounds = array<i64: 2, 16>, scalar_prefetch = 0 : i64, scratch_operands = 3 : i64, tpu.core_type = #tpu.core_type<sc_vector_subcore>, window_params = [{transform_indices = #map}, {transform_indices = #map1}, {transform_indices = #map2}]} {
    %mul3A = arith.constant 640 : i32
    %mul3A_0 = arith.muli %arg1, %mul3A : i32
    %multiple_of3A = tpu.assume_multiple %mul3A_0, 8 : i32
    "tpu.region"() ({
      %run_scoped3A = tpu.sem_alloc : memref<!tpu.dma_semaphore, #tpu.memory_space<semaphore_mem>>
      %dma_start3A = tpu.memref_slice %arg7[%multiple_of3A] : memref<10240xf32, #tpu.memory_space<vmem_shared>> -> memref<640xf32, #tpu.memory_space<vmem_shared>>
      tpu.enqueue_dma source(%arg3 : memref<640xf32, #tpu.memory_space<hbm>>) target(%dma_start3A : memref<640xf32, #tpu.memory_space<vmem_shared>>) target_semaphore(%run_scoped3A : memref<!tpu.dma_semaphore, #tpu.memory_space<semaphore_mem>>)
      %dma_wait3A = tpu.memref_slice %arg7[%multiple_of3A] : memref<10240xf32, #tpu.memory_space<vmem_shared>> -> memref<640xf32, #tpu.memory_space<vmem_shared>>
      tpu.wait_dma2 semaphore(%run_scoped3A : memref<!tpu.dma_semaphore, #tpu.memory_space<semaphore_mem>>) src(%arg3 : memref<640xf32, #tpu.memory_space<hbm>>) dst(%dma_wait3A : memref<640xf32, #tpu.memory_space<vmem_shared>>)
      tpu.yield
    }) : () -> ()
    %broadcast_in_dim3A = arith.constant 1.000000e+00 : f32
    %broadcast_in_dim3A_1 = vector.broadcast %broadcast_in_dim3A : f32 to vector<16xf32>
    %swap3A = arith.constant 0 : index
    %swap3A_2 = tpu.vector_load %arg6[%swap3A] {strides = array<i32>} : memref<80xf32, #tpu.memory_space<vmem>>, vector<16xf32>,
    %swap3A_3 = vector.shape_cast %swap3A_2 : vector<16xf32> to vector<16xf32>
    %swap3A_4 = vector.shape_cast %broadcast_in_dim3A_1 : vector<16xf32> to vector<16xf32>
    tpu.vector_store %arg6[%swap3A], %swap3A_4 {strides = array<i32>} : memref<80xf32, #tpu.memory_space<vmem>>, vector<16xf32>,
    %broadcast_in_dim3A_5 = arith.constant 1.000000e+00 : f32
    %broadcast_in_dim3A_6 = vector.broadcast %broadcast_in_dim3A_5 : f32 to vector<16xf32>
    %swap3A_7 = arith.constant 16 : index
    %swap3A_8 = tpu.vector_load %arg6[%swap3A_7] {strides = array<i32>} : memref<80xf32, #tpu.memory_space<vmem>>, vector<16xf32>,
    %swap3A_9 = vector.shape_cast %swap3A_8 : vector<16xf32> to vector<16xf32>
    %swap3A_10 = vector.shape_cast %broadcast_in_dim3A_6 : vector<16xf32> to vector<16xf32>
    tpu.vector_store %arg6[%swap3A_7], %swap3A_10 {strides = array<i32>} : memref<80xf32, #tpu.memory_space<vmem>>, vector<16xf32>,
    %broadcast_in_dim3A_11 = arith.constant 1.000000e+00 : f32
    %broadcast_in_dim3A_12 = vector.broadcast %broadcast_in_dim3A_11 : f32 to vector<16xf32>
    %swap3A_13 = arith.constant 32 : index
    %swap3A_14 = tpu.vector_load %arg6[%swap3A_13] {strides = array<i32>} : memref<80xf32, #tpu.memory_space<vmem>>, vector<16xf32>,
    %swap3A_15 = vector.shape_cast %swap3A_14 : vector<16xf32> to vector<16xf32>
    %swap3A_16 = vector.shape_cast %broadcast_in_dim3A_12 : vector<16xf32> to vector<16xf32>
    tpu.vector_store %arg6[%swap3A_13], %swap3A_16 {strides = array<i32>} : memref<80xf32, #tpu.memory_space<vmem>>, vector<16xf32>,
    %broadcast_in_dim3A_17 = arith.constant 1.000000e+00 : f32
    %broadcast_in_dim3A_18 = vector.broadcast %broadcast_in_dim3A_17 : f32 to vector<16xf32>
    %swap3A_19 = arith.constant 48 : index
    %swap3A_20 = tpu.vector_load %arg6[%swap3A_19] {strides = array<i32>} : memref<80xf32, #tpu.memory_space<vmem>>, vector<16xf32>,
    %swap3A_21 = vector.shape_cast %swap3A_20 : vector<16xf32> to vector<16xf32>
    %swap3A_22 = vector.shape_cast %broadcast_in_dim3A_18 : vector<16xf32> to vector<16xf32>
    tpu.vector_store %arg6[%swap3A_19], %swap3A_22 {strides = array<i32>} : memref<80xf32, #tpu.memory_space<vmem>>, vector<16xf32>,
    %broadcast_in_dim3A_23 = arith.constant 1.000000e+00 : f32
    %broadcast_in_dim3A_24 = vector.broadcast %broadcast_in_dim3A_23 : f32 to vector<16xf32>
    %swap3A_25 = arith.constant 64 : index
    %swap3A_26 = tpu.vector_load %arg6[%swap3A_25] {strides = array<i32>} : memref<80xf32, #tpu.memory_space<vmem>>, vector<16xf32>,
    %swap3A_27 = vector.shape_cast %swap3A_26 : vector<16xf32> to vector<16xf32>
    %swap3A_28 = vector.shape_cast %broadcast_in_dim3A_24 : vector<16xf32> to vector<16xf32>
    tpu.vector_store %arg6[%swap3A_25], %swap3A_28 {strides = array<i32>} : memref<80xf32, #tpu.memory_space<vmem>>, vector<16xf32>,
    "tpu.region"() ({
      %run_scoped3A = tpu.sem_alloc : memref<!tpu.dma_semaphore, #tpu.memory_space<semaphore_mem>>
      %dma_start3A = arith.constant 0 : i32
      %dma_start3A_35 = arith.constant 0 : i32
      %dma_start3A_36 = tpu.memref_slice %arg2[%arg0, %arg1, %dma_start3A, %dma_start3A_35] : memref<2x16x250x80xi32, #tpu.memory_space<hbm>> -> memref<1x1x250x80xi32, #tpu.memory_space<hbm>>
      %dma_start3A_37 = tpu.memref_squeeze %dma_start3A_36 : memref<1x1x250x80xi32, #tpu.memory_space<hbm>> -> memref<250x80xi32, #tpu.memory_space<hbm>>
      %dma_start3A_38 = arith.constant 0 : i32
      %dma_start3A_39 = arith.constant 0 : i32
      %dma_start3A_40 = tpu.memref_slice %arg2[%arg0, %arg1, %dma_start3A_38, %dma_start3A_39] : memref<2x16x250x80xi32, #tpu.memory_space<hbm>> -> memref<1x1x250x80xi32, #tpu.memory_space<hbm>>
      %dma_start3A_41 = tpu.memref_squeeze %dma_start3A_40 : memref<1x1x250x80xi32, #tpu.memory_space<hbm>> -> memref<250x80xi32, #tpu.memory_space<hbm>>
      tpu.enqueue_dma source(%dma_start3A_41 : memref<250x80xi32, #tpu.memory_space<hbm>>) target(%arg5 : memref<250x80xi32, #tpu.memory_space<vmem>>) target_semaphore(%run_scoped3A : memref<!tpu.dma_semaphore, #tpu.memory_space<semaphore_mem>>)
      %dma_wait3A = arith.constant 0 : i32
      %dma_wait3A_42 = arith.constant 0 : i32
      %dma_wait3A_43 = tpu.memref_slice %arg2[%arg0, %arg1, %dma_wait3A, %dma_wait3A_42] : memref<2x16x250x80xi32, #tpu.memory_space<hbm>> -> memref<1x1x250x80xi32, #tpu.memory_space<hbm>>
      %dma_wait3A_44 = tpu.memref_squeeze %dma_wait3A_43 : memref<1x1x250x80xi32, #tpu.memory_space<hbm>> -> memref<250x80xi32, #tpu.memory_space<hbm>>
      %dma_wait3A_45 = arith.constant 0 : i32
      %dma_wait3A_46 = arith.constant 0 : i32
      %dma_wait3A_47 = tpu.memref_slice %arg2[%arg0, %arg1, %dma_wait3A_45, %dma_wait3A_46] : memref<2x16x250x80xi32, #tpu.memory_space<hbm>> -> memref<1x1x250x80xi32, #tpu.memory_space<hbm>>
      %dma_wait3A_48 = tpu.memref_squeeze %dma_wait3A_47 : memref<1x1x250x80xi32, #tpu.memory_space<hbm>> -> memref<250x80xi32, #tpu.memory_space<hbm>>
      tpu.wait_dma2 semaphore(%run_scoped3A : memref<!tpu.dma_semaphore, #tpu.memory_space<semaphore_mem>>) src(%dma_wait3A_48 : memref<250x80xi32, #tpu.memory_space<hbm>>) dst(%arg5 : memref<250x80xi32, #tpu.memory_space<vmem>>)
      tpu.yield
    }) : () -> ()
    %barrier3A = arith.constant 0 : index
    tpu.barrier barrier_id(%barrier3A)
    %scan3A = arith.constant 0 : i32
    %scan3A_29 = arith.constant 0 : i32
    %scan3A_30 = arith.constant 250 : i32
    %scan3A_31 = arith.addi %scan3A_29, %scan3A_30 : i32
    %scan3A_32 = arith.constant 1 : i32
    scf.for %scan3A_35 = %scan3A_29 to %scan3A_31 step %scan3A_32  : i32 {
      "tpu.region"() ({
        %run_scoped3A = tpu.sem_alloc : memref<!tpu.dma_semaphore, #tpu.memory_space<semaphore_mem>>
        %dma_start3A = arith.constant 0 : i32
        %dma_start3A_36 = tpu.memref_slice %arg5[%scan3A_35, %dma_start3A] : memref<250x80xi32, #tpu.memory_space<vmem>> -> memref<1x80xi32, #tpu.memory_space<vmem>>
        %dma_start3A_37 = tpu.memref_squeeze %dma_start3A_36 : memref<1x80xi32, #tpu.memory_space<vmem>> -> memref<80xi32, #tpu.memory_space<vmem>>
        %dma_start3A_38 = arith.constant 0 : i32
        %dma_start3A_39 = tpu.memref_slice %arg7[%dma_start3A_38] : memref<10240xf32, #tpu.memory_space<vmem_shared>> -> memref<10240xf32, #tpu.memory_space<vmem_shared>>
        tpu.enqueue_indirect_dma source(%arg6 : memref<80xf32, #tpu.memory_space<vmem>>) target(%dma_start3A_39 : memref<10240xf32, #tpu.memory_space<vmem_shared>>) offsets(%dma_start3A_37 : memref<80xi32, #tpu.memory_space<vmem>>) semaphore(%run_scoped3A : memref<!tpu.dma_semaphore, #tpu.memory_space<semaphore_mem>>) {add = true}
        %dma_wait3A = arith.constant 0 : i32
        %dma_wait3A_40 = tpu.memref_slice %arg5[%scan3A_35, %dma_wait3A] : memref<250x80xi32, #tpu.memory_space<vmem>> -> memref<1x80xi32, #tpu.memory_space<vmem>>
        %dma_wait3A_41 = tpu.memref_squeeze %dma_wait3A_40 : memref<1x80xi32, #tpu.memory_space<vmem>> -> memref<80xi32, #tpu.memory_space<vmem>>
        %dma_wait3A_42 = arith.constant 0 : i32
        %dma_wait3A_43 = tpu.memref_slice %arg7[%dma_wait3A_42] : memref<10240xf32, #tpu.memory_space<vmem_shared>> -> memref<10240xf32, #tpu.memory_space<vmem_shared>>
        tpu.wait_indirect_dma semaphore(%run_scoped3A : memref<!tpu.dma_semaphore, #tpu.memory_space<semaphore_mem>>) src(%arg6 : memref<80xf32, #tpu.memory_space<vmem>>) dst(%dma_wait3A_43 : memref<10240xf32, #tpu.memory_space<vmem_shared>>)
        tpu.yield
      }) : () -> ()
    }
    %scan3A_33 = arith.constant 250 : i32
    %barrier3A_34 = arith.constant 0 : index
    tpu.barrier barrier_id(%barrier3A_34)
    "tpu.region"() ({
      %run_scoped3A = tpu.sem_alloc : memref<!tpu.dma_semaphore, #tpu.memory_space<semaphore_mem>>
      %dma_start3A = tpu.memref_slice %arg4[%arg0, %multiple_of3A] : memref<2x10240xf32, #tpu.memory_space<hbm>> -> memref<1x640xf32, #tpu.memory_space<hbm>>
      %dma_start3A_35 = tpu.memref_squeeze %dma_start3A : memref<1x640xf32, #tpu.memory_space<hbm>> -> memref<640xf32, #tpu.memory_space<hbm>>
      %dma_start3A_36 = tpu.memref_slice %arg7[%multiple_of3A] : memref<10240xf32, #tpu.memory_space<vmem_shared>> -> memref<640xf32, #tpu.memory_space<vmem_shared>>
      tpu.enqueue_dma source(%dma_start3A_36 : memref<640xf32, #tpu.memory_space<vmem_shared>>) target(%dma_start3A_35 : memref<640xf32, #tpu.memory_space<hbm>>) target_semaphore(%run_scoped3A : memref<!tpu.dma_semaphore, #tpu.memory_space<semaphore_mem>>)
      %dma_wait3A = tpu.memref_slice %arg4[%arg0, %multiple_of3A] : memref<2x10240xf32, #tpu.memory_space<hbm>> -> memref<1x640xf32, #tpu.memory_space<hbm>>
      %dma_wait3A_37 = tpu.memref_squeeze %dma_wait3A : memref<1x640xf32, #tpu.memory_space<hbm>> -> memref<640xf32, #tpu.memory_space<hbm>>
      %dma_wait3A_38 = tpu.memref_slice %arg7[%multiple_of3A] : memref<10240xf32, #tpu.memory_space<vmem_shared>> -> memref<640xf32, #tpu.memory_space<vmem_shared>>
      tpu.wait_dma2 semaphore(%run_scoped3A : memref<!tpu.dma_semaphore, #tpu.memory_space<semaphore_mem>>) src(%dma_wait3A_38 : memref<640xf32, #tpu.memory_space<vmem_shared>>) dst(%dma_wait3A_37 : memref<640xf32, #tpu.memory_space<hbm>>)
      tpu.yield
    }) : () -> ()
    return
  }
}

#map = affine_map<(d0, d1) -> (0, 0)>
#map1 = affine_map<(d0, d1) -> (0, 0, 0, 0)>
module attributes {stable_mosaic.version = 14 : i64} {
  func.func @_acc_body(%arg0: i32, %arg1: i32, %arg2: memref<20000x128xf32, #tpu.memory_space<hbm>>, %arg3: memref<2x16x250x80xi32, #tpu.memory_space<hbm>>, %arg4: memref<2x16x250x80xi32, #tpu.memory_space<hbm>>, %arg5: memref<2x16x250x80xi32, #tpu.memory_space<hbm>>, %arg6: memref<328x128xf32, #tpu.memory_space<hbm>>, %arg7: memref<2x2x5120x128xf32, #tpu.memory_space<hbm>>, %arg8: memref<250x80xi32, #tpu.memory_space<vmem>>, %arg9: memref<250x80xi32, #tpu.memory_space<vmem>>, %arg10: memref<80x128xf32, #tpu.memory_space<vmem>>, %arg11: memref<80x128xf32, #tpu.memory_space<vmem>>, %arg12: memref<5248x128xf32, #tpu.memory_space<vmem_shared>>, %arg13: memref<!tpu.dma_semaphore, #tpu.memory_space<semaphore_mem>>, %arg14: memref<!tpu.dma_semaphore, #tpu.memory_space<semaphore_mem>>) attributes {dimension_semantics = [#tpu.dimension_semantics<core_parallel>, #tpu.dimension_semantics<subcore_parallel>], iteration_bounds = array<i64: 2, 16>, scalar_prefetch = 0 : i64, scratch_operands = 7 : i64, tpu.core_type = #tpu.core_type<sc_vector_subcore>, window_params = [{transform_indices = #map}, {transform_indices = #map1}, {transform_indices = #map1}, {transform_indices = #map1}, {transform_indices = #map}, {transform_indices = #map1}]} {
    %mul3A = arith.constant 328 : i32
    %mul3A_0 = arith.muli %arg1, %mul3A : i32
    %multiple_of3A = tpu.assume_multiple %mul3A_0, 8 : i32
    "tpu.region"() ({
      %run_scoped3A_49 = tpu.sem_alloc : memref<!tpu.dma_semaphore, #tpu.memory_space<semaphore_mem>>
      %dma_start3A_50 = arith.constant 0 : i32
      %dma_start3A_51 = arith.constant 0 : i32
      %dma_start3A_52 = tpu.memref_slice %arg3[%arg0, %arg1, %dma_start3A_50, %dma_start3A_51] : memref<2x16x250x80xi32, #tpu.memory_space<hbm>> -> memref<1x1x250x80xi32, #tpu.memory_space<hbm>>
      %dma_start3A_53 = tpu.memref_squeeze %dma_start3A_52 : memref<1x1x250x80xi32, #tpu.memory_space<hbm>> -> memref<250x80xi32, #tpu.memory_space<hbm>>
      %dma_start3A_54 = arith.constant 0 : i32
      %dma_start3A_55 = arith.constant 0 : i32
      %dma_start3A_56 = tpu.memref_slice %arg3[%arg0, %arg1, %dma_start3A_54, %dma_start3A_55] : memref<2x16x250x80xi32, #tpu.memory_space<hbm>> -> memref<1x1x250x80xi32, #tpu.memory_space<hbm>>
      %dma_start3A_57 = tpu.memref_squeeze %dma_start3A_56 : memref<1x1x250x80xi32, #tpu.memory_space<hbm>> -> memref<250x80xi32, #tpu.memory_space<hbm>>
      tpu.enqueue_dma source(%dma_start3A_57 : memref<250x80xi32, #tpu.memory_space<hbm>>) target(%arg8 : memref<250x80xi32, #tpu.memory_space<vmem>>) target_semaphore(%run_scoped3A_49 : memref<!tpu.dma_semaphore, #tpu.memory_space<semaphore_mem>>)
      %dma_wait3A = arith.constant 0 : i32
      %dma_wait3A_58 = arith.constant 0 : i32
      %dma_wait3A_59 = tpu.memref_slice %arg3[%arg0, %arg1, %dma_wait3A, %dma_wait3A_58] : memref<2x16x250x80xi32, #tpu.memory_space<hbm>> -> memref<1x1x250x80xi32, #tpu.memory_space<hbm>>
      %dma_wait3A_60 = tpu.memref_squeeze %dma_wait3A_59 : memref<1x1x250x80xi32, #tpu.memory_space<hbm>> -> memref<250x80xi32, #tpu.memory_space<hbm>>
      %dma_wait3A_61 = arith.constant 0 : i32
      %dma_wait3A_62 = arith.constant 0 : i32
      %dma_wait3A_63 = tpu.memref_slice %arg3[%arg0, %arg1, %dma_wait3A_61, %dma_wait3A_62] : memref<2x16x250x80xi32, #tpu.memory_space<hbm>> -> memref<1x1x250x80xi32, #tpu.memory_space<hbm>>
      %dma_wait3A_64 = tpu.memref_squeeze %dma_wait3A_63 : memref<1x1x250x80xi32, #tpu.memory_space<hbm>> -> memref<250x80xi32, #tpu.memory_space<hbm>>
      tpu.wait_dma2 semaphore(%run_scoped3A_49 : memref<!tpu.dma_semaphore, #tpu.memory_space<semaphore_mem>>) src(%dma_wait3A_64 : memref<250x80xi32, #tpu.memory_space<hbm>>) dst(%arg8 : memref<250x80xi32, #tpu.memory_space<vmem>>)
      tpu.yield
    }) : () -> ()
    "tpu.region"() ({
      %run_scoped3A_49 = tpu.sem_alloc : memref<!tpu.dma_semaphore, #tpu.memory_space<semaphore_mem>>
      %dma_start3A_50 = arith.constant 0 : i32
      %dma_start3A_51 = arith.constant 0 : i32
      %dma_start3A_52 = tpu.memref_slice %arg4[%arg0, %arg1, %dma_start3A_50, %dma_start3A_51] : memref<2x16x250x80xi32, #tpu.memory_space<hbm>> -> memref<1x1x250x80xi32, #tpu.memory_space<hbm>>
      %dma_start3A_53 = tpu.memref_squeeze %dma_start3A_52 : memref<1x1x250x80xi32, #tpu.memory_space<hbm>> -> memref<250x80xi32, #tpu.memory_space<hbm>>
      %dma_start3A_54 = arith.constant 0 : i32
      %dma_start3A_55 = arith.constant 0 : i32
      %dma_start3A_56 = tpu.memref_slice %arg4[%arg0, %arg1, %dma_start3A_54, %dma_start3A_55] : memref<2x16x250x80xi32, #tpu.memory_space<hbm>> -> memref<1x1x250x80xi32, #tpu.memory_space<hbm>>
      %dma_start3A_57 = tpu.memref_squeeze %dma_start3A_56 : memref<1x1x250x80xi32, #tpu.memory_space<hbm>> -> memref<250x80xi32, #tpu.memory_space<hbm>>
      tpu.enqueue_dma source(%dma_start3A_57 : memref<250x80xi32, #tpu.memory_space<hbm>>) target(%arg9 : memref<250x80xi32, #tpu.memory_space<vmem>>) target_semaphore(%run_scoped3A_49 : memref<!tpu.dma_semaphore, #tpu.memory_space<semaphore_mem>>)
      %dma_wait3A = arith.constant 0 : i32
      %dma_wait3A_58 = arith.constant 0 : i32
      %dma_wait3A_59 = tpu.memref_slice %arg4[%arg0, %arg1, %dma_wait3A, %dma_wait3A_58] : memref<2x16x250x80xi32, #tpu.memory_space<hbm>> -> memref<1x1x250x80xi32, #tpu.memory_space<hbm>>
      %dma_wait3A_60 = tpu.memref_squeeze %dma_wait3A_59 : memref<1x1x250x80xi32, #tpu.memory_space<hbm>> -> memref<250x80xi32, #tpu.memory_space<hbm>>
      %dma_wait3A_61 = arith.constant 0 : i32
      %dma_wait3A_62 = arith.constant 0 : i32
      %dma_wait3A_63 = tpu.memref_slice %arg4[%arg0, %arg1, %dma_wait3A_61, %dma_wait3A_62] : memref<2x16x250x80xi32, #tpu.memory_space<hbm>> -> memref<1x1x250x80xi32, #tpu.memory_space<hbm>>
      %dma_wait3A_64 = tpu.memref_squeeze %dma_wait3A_63 : memref<1x1x250x80xi32, #tpu.memory_space<hbm>> -> memref<250x80xi32, #tpu.memory_space<hbm>>
      tpu.wait_dma2 semaphore(%run_scoped3A_49 : memref<!tpu.dma_semaphore, #tpu.memory_space<semaphore_mem>>) src(%dma_wait3A_64 : memref<250x80xi32, #tpu.memory_space<hbm>>) dst(%arg9 : memref<250x80xi32, #tpu.memory_space<vmem>>)
      tpu.yield
    }) : () -> ()
    "tpu.region"() ({
      %run_scoped3A_49 = tpu.sem_alloc : memref<!tpu.dma_semaphore, #tpu.memory_space<semaphore_mem>>
      %dma_start3A_50 = arith.constant 0 : i32
      %dma_start3A_51 = tpu.memref_slice %arg12[%multiple_of3A, %dma_start3A_50] : memref<5248x128xf32, #tpu.memory_space<vmem_shared>> -> memref<328x128xf32, #tpu.memory_space<vmem_shared>>
      tpu.enqueue_dma source(%arg6 : memref<328x128xf32, #tpu.memory_space<hbm>>) target(%dma_start3A_51 : memref<328x128xf32, #tpu.memory_space<vmem_shared>>) target_semaphore(%run_scoped3A_49 : memref<!tpu.dma_semaphore, #tpu.memory_space<semaphore_mem>>)
      %dma_wait3A = arith.constant 0 : i32
      %dma_wait3A_52 = tpu.memref_slice %arg12[%multiple_of3A, %dma_wait3A] : memref<5248x128xf32, #tpu.memory_space<vmem_shared>> -> memref<328x128xf32, #tpu.memory_space<vmem_shared>>
      tpu.wait_dma2 semaphore(%run_scoped3A_49 : memref<!tpu.dma_semaphore, #tpu.memory_space<semaphore_mem>>) src(%arg6 : memref<328x128xf32, #tpu.memory_space<hbm>>) dst(%dma_wait3A_52 : memref<328x128xf32, #tpu.memory_space<vmem_shared>>)
      tpu.yield
    }) : () -> ()
    %barrier3A = arith.constant 0 : index
    tpu.barrier barrier_id(%barrier3A)
    %dma_start3A = arith.constant 0 : i32
    %dma_start3A_1 = arith.constant 0 : i32
    %dma_start3A_2 = tpu.memref_slice %arg8[%dma_start3A, %dma_start3A_1] : memref<250x80xi32, #tpu.memory_space<vmem>> -> memref<1x80xi32, #tpu.memory_space<vmem>>
    %dma_start3A_3 = tpu.memref_squeeze %dma_start3A_2 : memref<1x80xi32, #tpu.memory_space<vmem>> -> memref<80xi32, #tpu.memory_space<vmem>>
    %dma_start3A_4 = arith.constant 0 : i32
    %dma_start3A_5 = arith.constant 0 : i32
    %dma_start3A_6 = tpu.memref_slice %arg2[%dma_start3A_4, %dma_start3A_5] : memref<20000x128xf32, #tpu.memory_space<hbm>> -> memref<20000x128xf32, #tpu.memory_space<hbm>>
    tpu.enqueue_indirect_dma source(%dma_start3A_6 : memref<20000x128xf32, #tpu.memory_space<hbm>>) target(%arg10 : memref<80x128xf32, #tpu.memory_space<vmem>>) offsets(%dma_start3A_3 : memref<80xi32, #tpu.memory_space<vmem>>) semaphore(%arg13 : memref<!tpu.dma_semaphore, #tpu.memory_space<semaphore_mem>>)
    %dma_start3A_7 = arith.constant 1 : i32
    %dma_start3A_8 = arith.constant 0 : i32
    %dma_start3A_9 = tpu.memref_slice %arg8[%dma_start3A_7, %dma_start3A_8] : memref<250x80xi32, #tpu.memory_space<vmem>> -> memref<1x80xi32, #tpu.memory_space<vmem>>
    %dma_start3A_10 = tpu.memref_squeeze %dma_start3A_9 : memref<1x80xi32, #tpu.memory_space<vmem>> -> memref<80xi32, #tpu.memory_space<vmem>>
    %dma_start3A_11 = arith.constant 0 : i32
    %dma_start3A_12 = arith.constant 0 : i32
    %dma_start3A_13 = tpu.memref_slice %arg2[%dma_start3A_11, %dma_start3A_12] : memref<20000x128xf32, #tpu.memory_space<hbm>> -> memref<20000x128xf32, #tpu.memory_space<hbm>>
    tpu.enqueue_indirect_dma source(%dma_start3A_13 : memref<20000x128xf32, #tpu.memory_space<hbm>>) target(%arg11 : memref<80x128xf32, #tpu.memory_space<vmem>>) offsets(%dma_start3A_10 : memref<80xi32, #tpu.memory_space<vmem>>) semaphore(%arg14 : memref<!tpu.dma_semaphore, #tpu.memory_space<semaphore_mem>>)
    %scan3A = arith.constant 0 : i32
    %scan3A_14 = arith.constant 0 : i32
    %scan3A_15 = arith.constant 125 : i32
    %scan3A_16 = arith.addi %scan3A_14, %scan3A_15 : i32
    %scan3A_17 = arith.constant 1 : i32
    scf.for %scan3A_49 = %scan3A_14 to %scan3A_16 step %scan3A_17  : i32 {
      %mul3A_50 = arith.constant 2 : i32
      %mul3A_51 = arith.muli %mul3A_50, %scan3A_49 : i32
      %add3A = arith.constant 0 : i32
      %add3A_52 = arith.addi %mul3A_51, %add3A : i32
      %dma_wait3A = arith.constant 0 : i32
      %dma_wait3A_53 = tpu.memref_slice %arg8[%add3A_52, %dma_wait3A] : memref<250x80xi32, #tpu.memory_space<vmem>> -> memref<1x80xi32, #tpu.memory_space<vmem>>
      %dma_wait3A_54 = tpu.memref_squeeze %dma_wait3A_53 : memref<1x80xi32, #tpu.memory_space<vmem>> -> memref<80xi32, #tpu.memory_space<vmem>>
      %dma_wait3A_55 = arith.constant 0 : i32
      %dma_wait3A_56 = arith.constant 0 : i32
      %dma_wait3A_57 = tpu.memref_slice %arg2[%dma_wait3A_55, %dma_wait3A_56] : memref<20000x128xf32, #tpu.memory_space<hbm>> -> memref<20000x128xf32, #tpu.memory_space<hbm>>
      tpu.wait_indirect_dma semaphore(%arg13 : memref<!tpu.dma_semaphore, #tpu.memory_space<semaphore_mem>>) src(%dma_wait3A_57 : memref<20000x128xf32, #tpu.memory_space<hbm>>) dst(%arg10 : memref<80x128xf32, #tpu.memory_space<vmem>>)
      "tpu.region"() ({
        %run_scoped3A_79 = tpu.sem_alloc : memref<!tpu.dma_semaphore, #tpu.memory_space<semaphore_mem>>
        %dma_start3A_80 = arith.constant 0 : i32
        %dma_start3A_81 = tpu.memref_slice %arg9[%add3A_52, %dma_start3A_80] : memref<250x80xi32, #tpu.memory_space<vmem>> -> memref<1x80xi32, #tpu.memory_space<vmem>>
        %dma_start3A_82 = tpu.memref_squeeze %dma_start3A_81 : memref<1x80xi32, #tpu.memory_space<vmem>> -> memref<80xi32, #tpu.memory_space<vmem>>
        %dma_start3A_83 = arith.constant 0 : i32
        %dma_start3A_84 = arith.constant 0 : i32
        %dma_start3A_85 = tpu.memref_slice %arg12[%dma_start3A_83, %dma_start3A_84] : memref<5248x128xf32, #tpu.memory_space<vmem_shared>> -> memref<5248x128xf32, #tpu.memory_space<vmem_shared>>
        tpu.enqueue_indirect_dma source(%arg10 : memref<80x128xf32, #tpu.memory_space<vmem>>) target(%dma_start3A_85 : memref<5248x128xf32, #tpu.memory_space<vmem_shared>>) offsets(%dma_start3A_82 : memref<80xi32, #tpu.memory_space<vmem>>) semaphore(%run_scoped3A_79 : memref<!tpu.dma_semaphore, #tpu.memory_space<semaphore_mem>>) {add = true}
        %dma_wait3A_86 = arith.constant 0 : i32
        %dma_wait3A_87 = tpu.memref_slice %arg9[%add3A_52, %dma_wait3A_86] : memref<250x80xi32, #tpu.memory_space<vmem>> -> memref<1x80xi32, #tpu.memory_space<vmem>>
        %dma_wait3A_88 = tpu.memref_squeeze %dma_wait3A_87 : memref<1x80xi32, #tpu.memory_space<vmem>> -> memref<80xi32, #tpu.memory_space<vmem>>
        %dma_wait3A_89 = arith.constant 0 : i32
        %dma_wait3A_90 = arith.constant 0 : i32
        %dma_wait3A_91 = tpu.memref_slice %arg12[%dma_wait3A_89, %dma_wait3A_90] : memref<5248x128xf32, #tpu.memory_space<vmem_shared>> -> memref<5248x128xf32, #tpu.memory_space<vmem_shared>>
        tpu.wait_indirect_dma semaphore(%run_scoped3A_79 : memref<!tpu.dma_semaphore, #tpu.memory_space<semaphore_mem>>) src(%arg10 : memref<80x128xf32, #tpu.memory_space<vmem>>) dst(%dma_wait3A_91 : memref<5248x128xf32, #tpu.memory_space<vmem_shared>>)
        tpu.yield
      }) : () -> ()
      %add3A_58 = arith.constant 2 : i32
      %add3A_59 = arith.addi %add3A_52, %add3A_58 : i32
      %lt3A = arith.constant 250 : i32
      %lt3A_60 = arith.cmpi slt, %add3A_59, %lt3A : i32
      %convert_element_type3A = arith.extui %lt3A_60 : i1 to i32
      %cond3A = arith.constant 0 : i32
      %cond3A_61 = arith.cmpi ne, %convert_element_type3A, %cond3A : i32
      scf.if %cond3A_61 {
        %add3A_79 = arith.constant 2 : i32
        %add3A_80 = arith.addi %add3A_52, %add3A_79 : i32
        %dma_start3A_81 = arith.constant 0 : i32
        %dma_start3A_82 = tpu.memref_slice %arg8[%add3A_80, %dma_start3A_81] : memref<250x80xi32, #tpu.memory_space<vmem>> -> memref<1x80xi32, #tpu.memory_space<vmem>>
        %dma_start3A_83 = tpu.memref_squeeze %dma_start3A_82 : memref<1x80xi32, #tpu.memory_space<vmem>> -> memref<80xi32, #tpu.memory_space<vmem>>
        %dma_start3A_84 = arith.constant 0 : i32
        %dma_start3A_85 = arith.constant 0 : i32
        %dma_start3A_86 = tpu.memref_slice %arg2[%dma_start3A_84, %dma_start3A_85] : memref<20000x128xf32, #tpu.memory_space<hbm>> -> memref<20000x128xf32, #tpu.memory_space<hbm>>
        tpu.enqueue_indirect_dma source(%dma_start3A_86 : memref<20000x128xf32, #tpu.memory_space<hbm>>) target(%arg10 : memref<80x128xf32, #tpu.memory_space<vmem>>) offsets(%dma_start3A_83 : memref<80xi32, #tpu.memory_space<vmem>>) semaphore(%arg13 : memref<!tpu.dma_semaphore, #tpu.memory_space<semaphore_mem>>)
      } else {
      }
      %mul3A_62 = arith.constant 2 : i32
      %mul3A_63 = arith.muli %mul3A_62, %scan3A_49 : i32
      %add3A_64 = arith.constant 1 : i32
      %add3A_65 = arith.addi %mul3A_63, %add3A_64 : i32
      %dma_wait3A_66 = arith.constant 0 : i32
      %dma_wait3A_67 = tpu.memref_slice %arg8[%add3A_65, %dma_wait3A_66] : memref<250x80xi32, #tpu.memory_space<vmem>> -> memref<1x80xi32, #tpu.memory_space<vmem>>
      %dma_wait3A_68 = tpu.memref_squeeze %dma_wait3A_67 : memref<1x80xi32, #tpu.memory_space<vmem>> -> memref<80xi32, #tpu.memory_space<vmem>>
      %dma_wait3A_69 = arith.constant 0 : i32
      %dma_wait3A_70 = arith.constant 0 : i32
      %dma_wait3A_71 = tpu.memref_slice %arg2[%dma_wait3A_69, %dma_wait3A_70] : memref<20000x128xf32, #tpu.memory_space<hbm>> -> memref<20000x128xf32, #tpu.memory_space<hbm>>
      tpu.wait_indirect_dma semaphore(%arg14 : memref<!tpu.dma_semaphore, #tpu.memory_space<semaphore_mem>>) src(%dma_wait3A_71 : memref<20000x128xf32, #tpu.memory_space<hbm>>) dst(%arg11 : memref<80x128xf32, #tpu.memory_space<vmem>>)
      "tpu.region"() ({
        %run_scoped3A_79 = tpu.sem_alloc : memref<!tpu.dma_semaphore, #tpu.memory_space<semaphore_mem>>
        %dma_start3A_80 = arith.constant 0 : i32
        %dma_start3A_81 = tpu.memref_slice %arg9[%add3A_65, %dma_start3A_80] : memref<250x80xi32, #tpu.memory_space<vmem>> -> memref<1x80xi32, #tpu.memory_space<vmem>>
        %dma_start3A_82 = tpu.memref_squeeze %dma_start3A_81 : memref<1x80xi32, #tpu.memory_space<vmem>> -> memref<80xi32, #tpu.memory_space<vmem>>
        %dma_start3A_83 = arith.constant 0 : i32
        %dma_start3A_84 = arith.constant 0 : i32
        %dma_start3A_85 = tpu.memref_slice %arg12[%dma_start3A_83, %dma_start3A_84] : memref<5248x128xf32, #tpu.memory_space<vmem_shared>> -> memref<5248x128xf32, #tpu.memory_space<vmem_shared>>
        tpu.enqueue_indirect_dma source(%arg11 : memref<80x128xf32, #tpu.memory_space<vmem>>) target(%dma_start3A_85 : memref<5248x128xf32, #tpu.memory_space<vmem_shared>>) offsets(%dma_start3A_82 : memref<80xi32, #tpu.memory_space<vmem>>) semaphore(%run_scoped3A_79 : memref<!tpu.dma_semaphore, #tpu.memory_space<semaphore_mem>>) {add = true}
        %dma_wait3A_86 = arith.constant 0 : i32
        %dma_wait3A_87 = tpu.memref_slice %arg9[%add3A_65, %dma_wait3A_86] : memref<250x80xi32, #tpu.memory_space<vmem>> -> memref<1x80xi32, #tpu.memory_space<vmem>>
        %dma_wait3A_88 = tpu.memref_squeeze %dma_wait3A_87 : memref<1x80xi32, #tpu.memory_space<vmem>> -> memref<80xi32, #tpu.memory_space<vmem>>
        %dma_wait3A_89 = arith.constant 0 : i32
        %dma_wait3A_90 = arith.constant 0 : i32
        %dma_wait3A_91 = tpu.memref_slice %arg12[%dma_wait3A_89, %dma_wait3A_90] : memref<5248x128xf32, #tpu.memory_space<vmem_shared>> -> memref<5248x128xf32, #tpu.memory_space<vmem_shared>>
        tpu.wait_indirect_dma semaphore(%run_scoped3A_79 : memref<!tpu.dma_semaphore, #tpu.memory_space<semaphore_mem>>) src(%arg11 : memref<80x128xf32, #tpu.memory_space<vmem>>) dst(%dma_wait3A_91 : memref<5248x128xf32, #tpu.memory_space<vmem_shared>>)
        tpu.yield
      }) : () -> ()
      %add3A_72 = arith.constant 2 : i32
      %add3A_73 = arith.addi %add3A_65, %add3A_72 : i32
      %lt3A_74 = arith.constant 250 : i32
      %lt3A_75 = arith.cmpi slt, %add3A_73, %lt3A_74 : i32
      %convert_element_type3A_76 = arith.extui %lt3A_75 : i1 to i32
      %cond3A_77 = arith.constant 0 : i32
      %cond3A_78 = arith.cmpi ne, %convert_element_type3A_76, %cond3A_77 : i32
      scf.if %cond3A_78 {
        %add3A_79 = arith.constant 2 : i32
        %add3A_80 = arith.addi %add3A_65, %add3A_79 : i32
        %dma_start3A_81 = arith.constant 0 : i32
        %dma_start3A_82 = tpu.memref_slice %arg8[%add3A_80, %dma_start3A_81] : memref<250x80xi32, #tpu.memory_space<vmem>> -> memref<1x80xi32, #tpu.memory_space<vmem>>
        %dma_start3A_83 = tpu.memref_squeeze %dma_start3A_82 : memref<1x80xi32, #tpu.memory_space<vmem>> -> memref<80xi32, #tpu.memory_space<vmem>>
        %dma_start3A_84 = arith.constant 0 : i32
        %dma_start3A_85 = arith.constant 0 : i32
        %dma_start3A_86 = tpu.memref_slice %arg2[%dma_start3A_84, %dma_start3A_85] : memref<20000x128xf32, #tpu.memory_space<hbm>> -> memref<20000x128xf32, #tpu.memory_space<hbm>>
        tpu.enqueue_indirect_dma source(%dma_start3A_86 : memref<20000x128xf32, #tpu.memory_space<hbm>>) target(%arg11 : memref<80x128xf32, #tpu.memory_space<vmem>>) offsets(%dma_start3A_83 : memref<80xi32, #tpu.memory_space<vmem>>) semaphore(%arg14 : memref<!tpu.dma_semaphore, #tpu.memory_space<semaphore_mem>>)
      } else {
      }
    }
    %scan3A_18 = arith.constant 125 : i32
    %barrier3A_19 = arith.constant 0 : index
    tpu.barrier barrier_id(%barrier3A_19)
    %mul3A_20 = arith.constant 320 : i32
    %mul3A_21 = arith.muli %arg1, %mul3A_20 : i32
    %multiple_of3A_22 = tpu.assume_multiple %mul3A_21, 8 : i32
    %run_scoped3A = arith.constant 0 : i32
    "tpu.region"() ({
      %run_scoped3A_49 = tpu.sem_alloc : memref<!tpu.dma_semaphore, #tpu.memory_space<semaphore_mem>>
      %dma_start3A_50 = arith.constant 0 : i32
      %dma_start3A_51 = tpu.memref_slice %arg7[%arg0, %run_scoped3A, %multiple_of3A_22, %dma_start3A_50] : memref<2x2x5120x128xf32, #tpu.memory_space<hbm>> -> memref<1x1x320x128xf32, #tpu.memory_space<hbm>>
      %dma_start3A_52 = tpu.memref_squeeze %dma_start3A_51 : memref<1x1x320x128xf32, #tpu.memory_space<hbm>> -> memref<320x128xf32, #tpu.memory_space<hbm>>
      %dma_start3A_53 = arith.constant 0 : i32
      %dma_start3A_54 = tpu.memref_slice %arg12[%multiple_of3A_22, %dma_start3A_53] : memref<5248x128xf32, #tpu.memory_space<vmem_shared>> -> memref<320x128xf32, #tpu.memory_space<vmem_shared>>
      tpu.enqueue_dma source(%dma_start3A_54 : memref<320x128xf32, #tpu.memory_space<vmem_shared>>) target(%dma_start3A_52 : memref<320x128xf32, #tpu.memory_space<hbm>>) target_semaphore(%run_scoped3A_49 : memref<!tpu.dma_semaphore, #tpu.memory_space<semaphore_mem>>)
      %dma_wait3A = arith.constant 0 : i32
      %dma_wait3A_55 = tpu.memref_slice %arg7[%arg0, %run_scoped3A, %multiple_of3A_22, %dma_wait3A] : memref<2x2x5120x128xf32, #tpu.memory_space<hbm>> -> memref<1x1x320x128xf32, #tpu.memory_space<hbm>>
      %dma_wait3A_56 = tpu.memref_squeeze %dma_wait3A_55 : memref<1x1x320x128xf32, #tpu.memory_space<hbm>> -> memref<320x128xf32, #tpu.memory_space<hbm>>
      %dma_wait3A_57 = arith.constant 0 : i32
      %dma_wait3A_58 = tpu.memref_slice %arg12[%multiple_of3A_22, %dma_wait3A_57] : memref<5248x128xf32, #tpu.memory_space<vmem_shared>> -> memref<320x128xf32, #tpu.memory_space<vmem_shared>>
      tpu.wait_dma2 semaphore(%run_scoped3A_49 : memref<!tpu.dma_semaphore, #tpu.memory_space<semaphore_mem>>) src(%dma_wait3A_58 : memref<320x128xf32, #tpu.memory_space<vmem_shared>>) dst(%dma_wait3A_56 : memref<320x128xf32, #tpu.memory_space<hbm>>)
      tpu.yield
    }) : () -> ()
    "tpu.region"() ({
      %run_scoped3A_49 = tpu.sem_alloc : memref<!tpu.dma_semaphore, #tpu.memory_space<semaphore_mem>>
      %dma_start3A_50 = arith.constant 0 : i32
      %dma_start3A_51 = arith.constant 0 : i32
      %dma_start3A_52 = tpu.memref_slice %arg5[%arg0, %arg1, %dma_start3A_50, %dma_start3A_51] : memref<2x16x250x80xi32, #tpu.memory_space<hbm>> -> memref<1x1x250x80xi32, #tpu.memory_space<hbm>>
      %dma_start3A_53 = tpu.memref_squeeze %dma_start3A_52 : memref<1x1x250x80xi32, #tpu.memory_space<hbm>> -> memref<250x80xi32, #tpu.memory_space<hbm>>
      %dma_start3A_54 = arith.constant 0 : i32
      %dma_start3A_55 = arith.constant 0 : i32
      %dma_start3A_56 = tpu.memref_slice %arg5[%arg0, %arg1, %dma_start3A_54, %dma_start3A_55] : memref<2x16x250x80xi32, #tpu.memory_space<hbm>> -> memref<1x1x250x80xi32, #tpu.memory_space<hbm>>
      %dma_start3A_57 = tpu.memref_squeeze %dma_start3A_56 : memref<1x1x250x80xi32, #tpu.memory_space<hbm>> -> memref<250x80xi32, #tpu.memory_space<hbm>>
      tpu.enqueue_dma source(%dma_start3A_57 : memref<250x80xi32, #tpu.memory_space<hbm>>) target(%arg9 : memref<250x80xi32, #tpu.memory_space<vmem>>) target_semaphore(%run_scoped3A_49 : memref<!tpu.dma_semaphore, #tpu.memory_space<semaphore_mem>>)
      %dma_wait3A = arith.constant 0 : i32
      %dma_wait3A_58 = arith.constant 0 : i32
      %dma_wait3A_59 = tpu.memref_slice %arg5[%arg0, %arg1, %dma_wait3A, %dma_wait3A_58] : memref<2x16x250x80xi32, #tpu.memory_space<hbm>> -> memref<1x1x250x80xi32, #tpu.memory_space<hbm>>
      %dma_wait3A_60 = tpu.memref_squeeze %dma_wait3A_59 : memref<1x1x250x80xi32, #tpu.memory_space<hbm>> -> memref<250x80xi32, #tpu.memory_space<hbm>>
      %dma_wait3A_61 = arith.constant 0 : i32
      %dma_wait3A_62 = arith.constant 0 : i32
      %dma_wait3A_63 = tpu.memref_slice %arg5[%arg0, %arg1, %dma_wait3A_61, %dma_wait3A_62] : memref<2x16x250x80xi32, #tpu.memory_space<hbm>> -> memref<1x1x250x80xi32, #tpu.memory_space<hbm>>
      %dma_wait3A_64 = tpu.memref_squeeze %dma_wait3A_63 : memref<1x1x250x80xi32, #tpu.memory_space<hbm>> -> memref<250x80xi32, #tpu.memory_space<hbm>>
      tpu.wait_dma2 semaphore(%run_scoped3A_49 : memref<!tpu.dma_semaphore, #tpu.memory_space<semaphore_mem>>) src(%dma_wait3A_64 : memref<250x80xi32, #tpu.memory_space<hbm>>) dst(%arg9 : memref<250x80xi32, #tpu.memory_space<vmem>>)
      tpu.yield
    }) : () -> ()
    "tpu.region"() ({
      %run_scoped3A_49 = tpu.sem_alloc : memref<!tpu.dma_semaphore, #tpu.memory_space<semaphore_mem>>
      %dma_start3A_50 = arith.constant 0 : i32
      %dma_start3A_51 = tpu.memref_slice %arg12[%multiple_of3A, %dma_start3A_50] : memref<5248x128xf32, #tpu.memory_space<vmem_shared>> -> memref<328x128xf32, #tpu.memory_space<vmem_shared>>
      tpu.enqueue_dma source(%arg6 : memref<328x128xf32, #tpu.memory_space<hbm>>) target(%dma_start3A_51 : memref<328x128xf32, #tpu.memory_space<vmem_shared>>) target_semaphore(%run_scoped3A_49 : memref<!tpu.dma_semaphore, #tpu.memory_space<semaphore_mem>>)
      %dma_wait3A = arith.constant 0 : i32
      %dma_wait3A_52 = tpu.memref_slice %arg12[%multiple_of3A, %dma_wait3A] : memref<5248x128xf32, #tpu.memory_space<vmem_shared>> -> memref<328x128xf32, #tpu.memory_space<vmem_shared>>
      tpu.wait_dma2 semaphore(%run_scoped3A_49 : memref<!tpu.dma_semaphore, #tpu.memory_space<semaphore_mem>>) src(%arg6 : memref<328x128xf32, #tpu.memory_space<hbm>>) dst(%dma_wait3A_52 : memref<328x128xf32, #tpu.memory_space<vmem_shared>>)
      tpu.yield
    }) : () -> ()
    %barrier3A_23 = arith.constant 0 : index
    tpu.barrier barrier_id(%barrier3A_23)
    %dma_start3A_24 = arith.constant 0 : i32
    %dma_start3A_25 = arith.constant 0 : i32
    %dma_start3A_26 = tpu.memref_slice %arg8[%dma_start3A_24, %dma_start3A_25] : memref<250x80xi32, #tpu.memory_space<vmem>> -> memref<1x80xi32, #tpu.memory_space<vmem>>
    %dma_start3A_27 = tpu.memref_squeeze %dma_start3A_26 : memref<1x80xi32, #tpu.memory_space<vmem>> -> memref<80xi32, #tpu.memory_space<vmem>>
    %dma_start3A_28 = arith.constant 0 : i32
    %dma_start3A_29 = arith.constant 0 : i32
    %dma_start3A_30 = tpu.memref_slice %arg2[%dma_start3A_28, %dma_start3A_29] : memref<20000x128xf32, #tpu.memory_space<hbm>> -> memref<20000x128xf32, #tpu.memory_space<hbm>>
    tpu.enqueue_indirect_dma source(%dma_start3A_30 : memref<20000x128xf32, #tpu.memory_space<hbm>>) target(%arg10 : memref<80x128xf32, #tpu.memory_space<vmem>>) offsets(%dma_start3A_27 : memref<80xi32, #tpu.memory_space<vmem>>) semaphore(%arg13 : memref<!tpu.dma_semaphore, #tpu.memory_space<semaphore_mem>>)
    %dma_start3A_31 = arith.constant 1 : i32
    %dma_start3A_32 = arith.constant 0 : i32
    %dma_start3A_33 = tpu.memref_slice %arg8[%dma_start3A_31, %dma_start3A_32] : memref<250x80xi32, #tpu.memory_space<vmem>> -> memref<1x80xi32, #tpu.memory_space<vmem>>
    %dma_start3A_34 = tpu.memref_squeeze %dma_start3A_33 : memref<1x80xi32, #tpu.memory_space<vmem>> -> memref<80xi32, #tpu.memory_space<vmem>>
    %dma_start3A_35 = arith.constant 0 : i32
    %dma_start3A_36 = arith.constant 0 : i32
    %dma_start3A_37 = tpu.memref_slice %arg2[%dma_start3A_35, %dma_start3A_36] : memref<20000x128xf32, #tpu.memory_space<hbm>> -> memref<20000x128xf32, #tpu.memory_space<hbm>>
    tpu.enqueue_indirect_dma source(%dma_start3A_37 : memref<20000x128xf32, #tpu.memory_space<hbm>>) target(%arg11 : memref<80x128xf32, #tpu.memory_space<vmem>>) offsets(%dma_start3A_34 : memref<80xi32, #tpu.memory_space<vmem>>) semaphore(%arg14 : memref<!tpu.dma_semaphore, #tpu.memory_space<semaphore_mem>>)
    %scan3A_38 = arith.constant 0 : i32
    %scan3A_39 = arith.constant 0 : i32
    %scan3A_40 = arith.constant 125 : i32
    %scan3A_41 = arith.addi %scan3A_39, %scan3A_40 : i32
    %scan3A_42 = arith.constant 1 : i32
    scf.for %scan3A_49 = %scan3A_39 to %scan3A_41 step %scan3A_42  : i32 {
      %mul3A_50 = arith.constant 2 : i32
      %mul3A_51 = arith.muli %mul3A_50, %scan3A_49 : i32
      %add3A = arith.constant 0 : i32
      %add3A_52 = arith.addi %mul3A_51, %add3A : i32
      %dma_wait3A = arith.constant 0 : i32
      %dma_wait3A_53 = tpu.memref_slice %arg8[%add3A_52, %dma_wait3A] : memref<250x80xi32, #tpu.memory_space<vmem>> -> memref<1x80xi32, #tpu.memory_space<vmem>>
      %dma_wait3A_54 = tpu.memref_squeeze %dma_wait3A_53 : memref<1x80xi32, #tpu.memory_space<vmem>> -> memref<80xi32, #tpu.memory_space<vmem>>
      %dma_wait3A_55 = arith.constant 0 : i32
      %dma_wait3A_56 = arith.constant 0 : i32
      %dma_wait3A_57 = tpu.memref_slice %arg2[%dma_wait3A_55, %dma_wait3A_56] : memref<20000x128xf32, #tpu.memory_space<hbm>> -> memref<20000x128xf32, #tpu.memory_space<hbm>>
      tpu.wait_indirect_dma semaphore(%arg13 : memref<!tpu.dma_semaphore, #tpu.memory_space<semaphore_mem>>) src(%dma_wait3A_57 : memref<20000x128xf32, #tpu.memory_space<hbm>>) dst(%arg10 : memref<80x128xf32, #tpu.memory_space<vmem>>)
      "tpu.region"() ({
        %run_scoped3A_79 = tpu.sem_alloc : memref<!tpu.dma_semaphore, #tpu.memory_space<semaphore_mem>>
        %dma_start3A_80 = arith.constant 0 : i32
        %dma_start3A_81 = tpu.memref_slice %arg9[%add3A_52, %dma_start3A_80] : memref<250x80xi32, #tpu.memory_space<vmem>> -> memref<1x80xi32, #tpu.memory_space<vmem>>
        %dma_start3A_82 = tpu.memref_squeeze %dma_start3A_81 : memref<1x80xi32, #tpu.memory_space<vmem>> -> memref<80xi32, #tpu.memory_space<vmem>>
        %dma_start3A_83 = arith.constant 0 : i32
        %dma_start3A_84 = arith.constant 0 : i32
        %dma_start3A_85 = tpu.memref_slice %arg12[%dma_start3A_83, %dma_start3A_84] : memref<5248x128xf32, #tpu.memory_space<vmem_shared>> -> memref<5248x128xf32, #tpu.memory_space<vmem_shared>>
        tpu.enqueue_indirect_dma source(%arg10 : memref<80x128xf32, #tpu.memory_space<vmem>>) target(%dma_start3A_85 : memref<5248x128xf32, #tpu.memory_space<vmem_shared>>) offsets(%dma_start3A_82 : memref<80xi32, #tpu.memory_space<vmem>>) semaphore(%run_scoped3A_79 : memref<!tpu.dma_semaphore, #tpu.memory_space<semaphore_mem>>) {add = true}
        %dma_wait3A_86 = arith.constant 0 : i32
        %dma_wait3A_87 = tpu.memref_slice %arg9[%add3A_52, %dma_wait3A_86] : memref<250x80xi32, #tpu.memory_space<vmem>> -> memref<1x80xi32, #tpu.memory_space<vmem>>
        %dma_wait3A_88 = tpu.memref_squeeze %dma_wait3A_87 : memref<1x80xi32, #tpu.memory_space<vmem>> -> memref<80xi32, #tpu.memory_space<vmem>>
        %dma_wait3A_89 = arith.constant 0 : i32
        %dma_wait3A_90 = arith.constant 0 : i32
        %dma_wait3A_91 = tpu.memref_slice %arg12[%dma_wait3A_89, %dma_wait3A_90] : memref<5248x128xf32, #tpu.memory_space<vmem_shared>> -> memref<5248x128xf32, #tpu.memory_space<vmem_shared>>
        tpu.wait_indirect_dma semaphore(%run_scoped3A_79 : memref<!tpu.dma_semaphore, #tpu.memory_space<semaphore_mem>>) src(%arg10 : memref<80x128xf32, #tpu.memory_space<vmem>>) dst(%dma_wait3A_91 : memref<5248x128xf32, #tpu.memory_space<vmem_shared>>)
        tpu.yield
      }) : () -> ()
      %add3A_58 = arith.constant 2 : i32
      %add3A_59 = arith.addi %add3A_52, %add3A_58 : i32
      %lt3A = arith.constant 250 : i32
      %lt3A_60 = arith.cmpi slt, %add3A_59, %lt3A : i32
      %convert_element_type3A = arith.extui %lt3A_60 : i1 to i32
      %cond3A = arith.constant 0 : i32
      %cond3A_61 = arith.cmpi ne, %convert_element_type3A, %cond3A : i32
      scf.if %cond3A_61 {
        %add3A_79 = arith.constant 2 : i32
        %add3A_80 = arith.addi %add3A_52, %add3A_79 : i32
        %dma_start3A_81 = arith.constant 0 : i32
        %dma_start3A_82 = tpu.memref_slice %arg8[%add3A_80, %dma_start3A_81] : memref<250x80xi32, #tpu.memory_space<vmem>> -> memref<1x80xi32, #tpu.memory_space<vmem>>
        %dma_start3A_83 = tpu.memref_squeeze %dma_start3A_82 : memref<1x80xi32, #tpu.memory_space<vmem>> -> memref<80xi32, #tpu.memory_space<vmem>>
        %dma_start3A_84 = arith.constant 0 : i32
        %dma_start3A_85 = arith.constant 0 : i32
        %dma_start3A_86 = tpu.memref_slice %arg2[%dma_start3A_84, %dma_start3A_85] : memref<20000x128xf32, #tpu.memory_space<hbm>> -> memref<20000x128xf32, #tpu.memory_space<hbm>>
        tpu.enqueue_indirect_dma source(%dma_start3A_86 : memref<20000x128xf32, #tpu.memory_space<hbm>>) target(%arg10 : memref<80x128xf32, #tpu.memory_space<vmem>>) offsets(%dma_start3A_83 : memref<80xi32, #tpu.memory_space<vmem>>) semaphore(%arg13 : memref<!tpu.dma_semaphore, #tpu.memory_space<semaphore_mem>>)
      } else {
      }
      %mul3A_62 = arith.constant 2 : i32
      %mul3A_63 = arith.muli %mul3A_62, %scan3A_49 : i32
      %add3A_64 = arith.constant 1 : i32
      %add3A_65 = arith.addi %mul3A_63, %add3A_64 : i32
      %dma_wait3A_66 = arith.constant 0 : i32
      %dma_wait3A_67 = tpu.memref_slice %arg8[%add3A_65, %dma_wait3A_66] : memref<250x80xi32, #tpu.memory_space<vmem>> -> memref<1x80xi32, #tpu.memory_space<vmem>>
      %dma_wait3A_68 = tpu.memref_squeeze %dma_wait3A_67 : memref<1x80xi32, #tpu.memory_space<vmem>> -> memref<80xi32, #tpu.memory_space<vmem>>
      %dma_wait3A_69 = arith.constant 0 : i32
      %dma_wait3A_70 = arith.constant 0 : i32
      %dma_wait3A_71 = tpu.memref_slice %arg2[%dma_wait3A_69, %dma_wait3A_70] : memref<20000x128xf32, #tpu.memory_space<hbm>> -> memref<20000x128xf32, #tpu.memory_space<hbm>>
      tpu.wait_indirect_dma semaphore(%arg14 : memref<!tpu.dma_semaphore, #tpu.memory_space<semaphore_mem>>) src(%dma_wait3A_71 : memref<20000x128xf32, #tpu.memory_space<hbm>>) dst(%arg11 : memref<80x128xf32, #tpu.memory_space<vmem>>)
      "tpu.region"() ({
        %run_scoped3A_79 = tpu.sem_alloc : memref<!tpu.dma_semaphore, #tpu.memory_space<semaphore_mem>>
        %dma_start3A_80 = arith.constant 0 : i32
        %dma_start3A_81 = tpu.memref_slice %arg9[%add3A_65, %dma_start3A_80] : memref<250x80xi32, #tpu.memory_space<vmem>> -> memref<1x80xi32, #tpu.memory_space<vmem>>
        %dma_start3A_82 = tpu.memref_squeeze %dma_start3A_81 : memref<1x80xi32, #tpu.memory_space<vmem>> -> memref<80xi32, #tpu.memory_space<vmem>>
        %dma_start3A_83 = arith.constant 0 : i32
        %dma_start3A_84 = arith.constant 0 : i32
        %dma_start3A_85 = tpu.memref_slice %arg12[%dma_start3A_83, %dma_start3A_84] : memref<5248x128xf32, #tpu.memory_space<vmem_shared>> -> memref<5248x128xf32, #tpu.memory_space<vmem_shared>>
        tpu.enqueue_indirect_dma source(%arg11 : memref<80x128xf32, #tpu.memory_space<vmem>>) target(%dma_start3A_85 : memref<5248x128xf32, #tpu.memory_space<vmem_shared>>) offsets(%dma_start3A_82 : memref<80xi32, #tpu.memory_space<vmem>>) semaphore(%run_scoped3A_79 : memref<!tpu.dma_semaphore, #tpu.memory_space<semaphore_mem>>) {add = true}
        %dma_wait3A_86 = arith.constant 0 : i32
        %dma_wait3A_87 = tpu.memref_slice %arg9[%add3A_65, %dma_wait3A_86] : memref<250x80xi32, #tpu.memory_space<vmem>> -> memref<1x80xi32, #tpu.memory_space<vmem>>
        %dma_wait3A_88 = tpu.memref_squeeze %dma_wait3A_87 : memref<1x80xi32, #tpu.memory_space<vmem>> -> memref<80xi32, #tpu.memory_space<vmem>>
        %dma_wait3A_89 = arith.constant 0 : i32
        %dma_wait3A_90 = arith.constant 0 : i32
        %dma_wait3A_91 = tpu.memref_slice %arg12[%dma_wait3A_89, %dma_wait3A_90] : memref<5248x128xf32, #tpu.memory_space<vmem_shared>> -> memref<5248x128xf32, #tpu.memory_space<vmem_shared>>
        tpu.wait_indirect_dma semaphore(%run_scoped3A_79 : memref<!tpu.dma_semaphore, #tpu.memory_space<semaphore_mem>>) src(%arg11 : memref<80x128xf32, #tpu.memory_space<vmem>>) dst(%dma_wait3A_91 : memref<5248x128xf32, #tpu.memory_space<vmem_shared>>)
        tpu.yield
      }) : () -> ()
      %add3A_72 = arith.constant 2 : i32
      %add3A_73 = arith.addi %add3A_65, %add3A_72 : i32
      %lt3A_74 = arith.constant 250 : i32
      %lt3A_75 = arith.cmpi slt, %add3A_73, %lt3A_74 : i32
      %convert_element_type3A_76 = arith.extui %lt3A_75 : i1 to i32
      %cond3A_77 = arith.constant 0 : i32
      %cond3A_78 = arith.cmpi ne, %convert_element_type3A_76, %cond3A_77 : i32
      scf.if %cond3A_78 {
        %add3A_79 = arith.constant 2 : i32
        %add3A_80 = arith.addi %add3A_65, %add3A_79 : i32
        %dma_start3A_81 = arith.constant 0 : i32
        %dma_start3A_82 = tpu.memref_slice %arg8[%add3A_80, %dma_start3A_81] : memref<250x80xi32, #tpu.memory_space<vmem>> -> memref<1x80xi32, #tpu.memory_space<vmem>>
        %dma_start3A_83 = tpu.memref_squeeze %dma_start3A_82 : memref<1x80xi32, #tpu.memory_space<vmem>> -> memref<80xi32, #tpu.memory_space<vmem>>
        %dma_start3A_84 = arith.constant 0 : i32
        %dma_start3A_85 = arith.constant 0 : i32
        %dma_start3A_86 = tpu.memref_slice %arg2[%dma_start3A_84, %dma_start3A_85] : memref<20000x128xf32, #tpu.memory_space<hbm>> -> memref<20000x128xf32, #tpu.memory_space<hbm>>
        tpu.enqueue_indirect_dma source(%dma_start3A_86 : memref<20000x128xf32, #tpu.memory_space<hbm>>) target(%arg11 : memref<80x128xf32, #tpu.memory_space<vmem>>) offsets(%dma_start3A_83 : memref<80xi32, #tpu.memory_space<vmem>>) semaphore(%arg14 : memref<!tpu.dma_semaphore, #tpu.memory_space<semaphore_mem>>)
      } else {
      }
    }
    %scan3A_43 = arith.constant 125 : i32
    %barrier3A_44 = arith.constant 0 : index
    tpu.barrier barrier_id(%barrier3A_44)
    %mul3A_45 = arith.constant 320 : i32
    %mul3A_46 = arith.muli %arg1, %mul3A_45 : i32
    %multiple_of3A_47 = tpu.assume_multiple %mul3A_46, 8 : i32
    %run_scoped3A_48 = arith.constant 1 : i32
    "tpu.region"() ({
      %run_scoped3A_49 = tpu.sem_alloc : memref<!tpu.dma_semaphore, #tpu.memory_space<semaphore_mem>>
      %dma_start3A_50 = arith.constant 0 : i32
      %dma_start3A_51 = tpu.memref_slice %arg7[%arg0, %run_scoped3A_48, %multiple_of3A_47, %dma_start3A_50] : memref<2x2x5120x128xf32, #tpu.memory_space<hbm>> -> memref<1x1x320x128xf32, #tpu.memory_space<hbm>>
      %dma_start3A_52 = tpu.memref_squeeze %dma_start3A_51 : memref<1x1x320x128xf32, #tpu.memory_space<hbm>> -> memref<320x128xf32, #tpu.memory_space<hbm>>
      %dma_start3A_53 = arith.constant 0 : i32
      %dma_start3A_54 = tpu.memref_slice %arg12[%multiple_of3A_47, %dma_start3A_53] : memref<5248x128xf32, #tpu.memory_space<vmem_shared>> -> memref<320x128xf32, #tpu.memory_space<vmem_shared>>
      tpu.enqueue_dma source(%dma_start3A_54 : memref<320x128xf32, #tpu.memory_space<vmem_shared>>) target(%dma_start3A_52 : memref<320x128xf32, #tpu.memory_space<hbm>>) target_semaphore(%run_scoped3A_49 : memref<!tpu.dma_semaphore, #tpu.memory_space<semaphore_mem>>)
      %dma_wait3A = arith.constant 0 : i32
      %dma_wait3A_55 = tpu.memref_slice %arg7[%arg0, %run_scoped3A_48, %multiple_of3A_47, %dma_wait3A] : memref<2x2x5120x128xf32, #tpu.memory_space<hbm>> -> memref<1x1x320x128xf32, #tpu.memory_space<hbm>>
      %dma_wait3A_56 = tpu.memref_squeeze %dma_wait3A_55 : memref<1x1x320x128xf32, #tpu.memory_space<hbm>> -> memref<320x128xf32, #tpu.memory_space<hbm>>
      %dma_wait3A_57 = arith.constant 0 : i32
      %dma_wait3A_58 = tpu.memref_slice %arg12[%multiple_of3A_47, %dma_wait3A_57] : memref<5248x128xf32, #tpu.memory_space<vmem_shared>> -> memref<320x128xf32, #tpu.memory_space<vmem_shared>>
      tpu.wait_dma2 semaphore(%run_scoped3A_49 : memref<!tpu.dma_semaphore, #tpu.memory_space<semaphore_mem>>) src(%dma_wait3A_58 : memref<320x128xf32, #tpu.memory_space<vmem_shared>>) dst(%dma_wait3A_56 : memref<320x128xf32, #tpu.memory_space<hbm>>)
      tpu.yield
    }) : () -> ()
    return
  }
}

module attributes {stable_mosaic.version = 14 : i64} {
  func.func @_hs_body(%arg0: i32, %arg1: memref<200x128xf32, #tpu.memory_space<vmem>>, %arg2: memref<128x128xf32, #tpu.memory_space<vmem>>, %arg3: memref<200x1xf32, #tpu.memory_space<vmem>>, %arg4: memref<200x128xf32, #tpu.memory_space<vmem>>) attributes {dimension_semantics = [#tpu.dimension_semantics<arbitrary>], iteration_bounds = array<i64: 100>, scalar_prefetch = 0 : i64, scratch_operands = 0 : i64, tpu.core_type = #tpu.core_type<tc>, window_params = [{transform_indices = @transform_0, window_bounds = array<i64: 200, 128>}, {pipeline_mode = #tpu.pipeline_mode<synchronous>, transform_indices = @transform_1, window_bounds = array<i64: 128, 128>}, {transform_indices = @transform_2, window_bounds = array<i64: 200, 1>}, {transform_indices = @transform_3, window_bounds = array<i64: 200, 128>}]} {
    %get3A = arith.constant 0 : index
    %get3A_0 = arith.constant 0 : index
    %get3A_1 = vector.load %arg1[%get3A, %get3A_0] : memref<200x128xf32, #tpu.memory_space<vmem>>, vector<200x128xf32>
    %get3A_2 = arith.constant 0 : index
    %get3A_3 = arith.constant 0 : index
    %get3A_4 = vector.load %arg2[%get3A_2, %get3A_3] : memref<128x128xf32, #tpu.memory_space<vmem>>, vector<128x128xf32>
    %dot_general3A = arith.constant dense<0.000000e+00> : vector<200x128xf32>
    %dot_general3A_5 = tpu.matmul %get3A_1, %get3A_4, %dot_general3A {dimension_numbers = #tpu.dot_dimension_numbers<[1], [0], [0], [1], [0, 0, 1, 1], [], []>, transpose_lhs_hint = false} : vector<200x128xf32>, vector<128x128xf32>, vector<200x128xf32> -> vector<200x128xf32>
    %get3A_6 = arith.constant 0 : index
    %get3A_7 = arith.constant 0 : index
    %get3A_8 = vector.load %arg3[%get3A_6, %get3A_7] : memref<200x1xf32, #tpu.memory_space<vmem>>, vector<200x1xf32>
    %add3A = arith.constant 1.000000e+00 : f32
    %add3A_9 = vector.broadcast %add3A : f32 to vector<200x1xf32>
    %add3A_10 = arith.addf %get3A_8, %add3A_9 : vector<200x1xf32>
    %rsqrt3A = math.rsqrt %add3A_10 : vector<200x1xf32>
    %mul3A = vector.broadcast %rsqrt3A : vector<200x1xf32> to vector<200x128xf32>
    %mul3A_11 = arith.mulf %dot_general3A_5, %mul3A : vector<200x128xf32>
    %swap3A = arith.constant 0 : index
    %swap3A_12 = arith.constant 0 : index
    %swap3A_13 = vector.load %arg4[%swap3A, %swap3A_12] : memref<200x128xf32, #tpu.memory_space<vmem>>, vector<200x128xf32>
    tpu.vector_store %arg4[%swap3A, %swap3A_12], %mul3A_11 {strides = array<i32>} : memref<200x128xf32, #tpu.memory_space<vmem>>, vector<200x128xf32>,
    return
  }
  func.func @transform_0(%arg0: i32) -> (i32, i32) {
    %c0_i32 = arith.constant 0 : i32
    %c0_i32_0 = arith.constant 0 : i32
    return %arg0, %c0_i32 : i32, i32
  }
  func.func @transform_1(%arg0: i32) -> (i32, i32) {
    %c0_i32 = arith.constant 0 : i32
    %c0_i32_0 = arith.constant 0 : i32
    %c0_i32_1 = arith.constant 0 : i32
    return %c0_i32, %c0_i32_0 : i32, i32
  }
  func.func @transform_2(%arg0: i32) -> (i32, i32) {
    %c0_i32 = arith.constant 0 : i32
    %c0_i32_0 = arith.constant 0 : i32
    return %arg0, %c0_i32 : i32, i32
  }
  func.func @transform_3(%arg0: i32) -> (i32, i32) {
    %c0_i32 = arith.constant 0 : i32
    %c0_i32_0 = arith.constant 0 : i32
    return %arg0, %c0_i32 : i32, i32
  }
}

module attributes {stable_mosaic.version = 14 : i64} {
  func.func @_fin_body(%arg0: i32, %arg1: memref<2x80x128xf32, #tpu.memory_space<vmem>>, %arg2: memref<80x128xf32, #tpu.memory_space<vmem>>, %arg3: memref<80x128xf32, #tpu.memory_space<vmem>>, %arg4: memref<80x1xf32, #tpu.memory_space<vmem>>, %arg5: memref<80x1xf32, #tpu.memory_space<vmem>>, %arg6: memref<1x128xf32, #tpu.memory_space<vmem>>, %arg7: memref<80x128xf32, #tpu.memory_space<vmem>>, %arg8: memref<80x128xf32, #tpu.memory_space<vmem>>) attributes {dimension_semantics = [#tpu.dimension_semantics<arbitrary>], iteration_bounds = array<i64: 125>, scalar_prefetch = 0 : i64, scratch_operands = 0 : i64, tpu.core_type = #tpu.core_type<tc>, window_params = [{transform_indices = @transform_0, window_bounds = array<i64: 2, 80, 128>}, {transform_indices = @transform_1, window_bounds = array<i64: 80, 128>}, {transform_indices = @transform_2, window_bounds = array<i64: 80, 128>}, {transform_indices = @transform_3, window_bounds = array<i64: 80, 1>}, {transform_indices = @transform_4, window_bounds = array<i64: 80, 1>}, {pipeline_mode = #tpu.pipeline_mode<synchronous>, transform_indices = @transform_5, window_bounds = array<i64: 1, 128>}, {transform_indices = @transform_6, window_bounds = array<i64: 80, 128>}, {transform_indices = @transform_7, window_bounds = array<i64: 80, 128>}]} {
    %get3A = arith.constant 0 : index
    %get3A_0 = arith.constant 0 : index
    %get3A_1 = vector.load %arg6[%get3A, %get3A_0] : memref<1x128xf32, #tpu.memory_space<vmem>>, vector<1x128xf32>
    %get3A_2 = arith.constant 0 : index
    %get3A_3 = arith.constant 0 : index
    %get3A_4 = arith.constant 0 : index
    %get3A_5 = vector.load %arg1[%get3A_2, %get3A_3, %get3A_4] : memref<2x80x128xf32, #tpu.memory_space<vmem>>, vector<1x80x128xf32>
    %get3A_6 = vector.shape_cast %get3A_5 : vector<1x80x128xf32> to vector<80x128xf32>
    %get3A_7 = arith.constant 1 : index
    %get3A_8 = arith.constant 0 : index
    %get3A_9 = arith.constant 0 : index
    %get3A_10 = vector.load %arg1[%get3A_7, %get3A_8, %get3A_9] : memref<2x80x128xf32, #tpu.memory_space<vmem>>, vector<1x80x128xf32>
    %get3A_11 = vector.shape_cast %get3A_10 : vector<1x80x128xf32> to vector<80x128xf32>
    %get3A_12 = arith.constant 0 : index
    %get3A_13 = arith.constant 0 : index
    %get3A_14 = vector.load %arg4[%get3A_12, %get3A_13] : memref<80x1xf32, #tpu.memory_space<vmem>>, vector<80x1xf32>
    %add3A = arith.constant 1.000000e+00 : f32
    %add3A_15 = vector.broadcast %add3A : f32 to vector<80x1xf32>
    %add3A_16 = arith.addf %get3A_14, %add3A_15 : vector<80x1xf32>
    %rsqrt3A = math.rsqrt %add3A_16 : vector<80x1xf32>
    %get3A_17 = arith.constant 0 : index
    %get3A_18 = arith.constant 0 : index
    %get3A_19 = vector.load %arg2[%get3A_17, %get3A_18] : memref<80x128xf32, #tpu.memory_space<vmem>>, vector<80x128xf32>
    %add3A_20 = arith.addf %get3A_6, %get3A_19 : vector<80x128xf32>
    %mul3A = vector.broadcast %rsqrt3A : vector<80x1xf32> to vector<80x128xf32>
    %mul3A_21 = arith.mulf %mul3A, %add3A_20 : vector<80x128xf32>
    %add3A_22 = vector.broadcast %get3A_1 : vector<1x128xf32> to vector<80x128xf32>
    %add3A_23 = arith.addf %mul3A_21, %add3A_22 : vector<80x128xf32>
    %mul3A_24 = arith.mulf %add3A_23, %add3A_23 : vector<80x128xf32>
    %reduce_sum3A = arith.constant dense<0.000000e+00> : vector<80xf32>
    %reduce_sum3A_25 = vector.multi_reduction <add>, %mul3A_24, %reduce_sum3A [1] : vector<80x128xf32> to vector<80xf32>
    %broadcast_in_dim3A = vector.shape_cast %reduce_sum3A_25 : vector<80xf32> to vector<80x1xf32>
    %sqrt3A = math.sqrt %broadcast_in_dim3A : vector<80x1xf32>
    %max3A = arith.constant 9.99999996E-13 : f32
    %max3A_26 = vector.broadcast %max3A : f32 to vector<80x1xf32>
    %max3A_27 = arith.maximumf %sqrt3A, %max3A_26 : vector<80x1xf32>
    %div3A = vector.broadcast %max3A_27 : vector<80x1xf32> to vector<80x128xf32>
    %div3A_28 = arith.divf %add3A_23, %div3A : vector<80x128xf32>
    %swap3A = arith.constant 0 : index
    %swap3A_29 = arith.constant 0 : index
    %swap3A_30 = vector.load %arg7[%swap3A, %swap3A_29] : memref<80x128xf32, #tpu.memory_space<vmem>>, vector<80x128xf32>
    tpu.vector_store %arg7[%swap3A, %swap3A_29], %div3A_28 {strides = array<i32>} : memref<80x128xf32, #tpu.memory_space<vmem>>, vector<80x128xf32>,
    %get3A_31 = arith.constant 0 : index
    %get3A_32 = arith.constant 0 : index
    %get3A_33 = vector.load %arg5[%get3A_31, %get3A_32] : memref<80x1xf32, #tpu.memory_space<vmem>>, vector<80x1xf32>
    %add3A_34 = arith.constant 1.000000e+00 : f32
    %add3A_35 = vector.broadcast %add3A_34 : f32 to vector<80x1xf32>
    %add3A_36 = arith.addf %get3A_33, %add3A_35 : vector<80x1xf32>
    %rsqrt3A_37 = math.rsqrt %add3A_36 : vector<80x1xf32>
    %get3A_38 = arith.constant 0 : index
    %get3A_39 = arith.constant 0 : index
    %get3A_40 = vector.load %arg3[%get3A_38, %get3A_39] : memref<80x128xf32, #tpu.memory_space<vmem>>, vector<80x128xf32>
    %add3A_41 = arith.addf %get3A_11, %get3A_40 : vector<80x128xf32>
    %mul3A_42 = vector.broadcast %rsqrt3A_37 : vector<80x1xf32> to vector<80x128xf32>
    %mul3A_43 = arith.mulf %mul3A_42, %add3A_41 : vector<80x128xf32>
    %add3A_44 = vector.broadcast %get3A_1 : vector<1x128xf32> to vector<80x128xf32>
    %add3A_45 = arith.addf %mul3A_43, %add3A_44 : vector<80x128xf32>
    %mul3A_46 = arith.mulf %add3A_45, %add3A_45 : vector<80x128xf32>
    %reduce_sum3A_47 = arith.constant dense<0.000000e+00> : vector<80xf32>
    %reduce_sum3A_48 = vector.multi_reduction <add>, %mul3A_46, %reduce_sum3A_47 [1] : vector<80x128xf32> to vector<80xf32>
    %broadcast_in_dim3A_49 = vector.shape_cast %reduce_sum3A_48 : vector<80xf32> to vector<80x1xf32>
    %sqrt3A_50 = math.sqrt %broadcast_in_dim3A_49 : vector<80x1xf32>
    %max3A_51 = arith.constant 9.99999996E-13 : f32
    %max3A_52 = vector.broadcast %max3A_51 : f32 to vector<80x1xf32>
    %max3A_53 = arith.maximumf %sqrt3A_50, %max3A_52 : vector<80x1xf32>
    %div3A_54 = vector.broadcast %max3A_53 : vector<80x1xf32> to vector<80x128xf32>
    %div3A_55 = arith.divf %add3A_45, %div3A_54 : vector<80x128xf32>
    %swap3A_56 = arith.constant 0 : index
    %swap3A_57 = arith.constant 0 : index
    %swap3A_58 = vector.load %arg8[%swap3A_56, %swap3A_57] : memref<80x128xf32, #tpu.memory_space<vmem>>, vector<80x128xf32>
    tpu.vector_store %arg8[%swap3A_56, %swap3A_57], %div3A_55 {strides = array<i32>} : memref<80x128xf32, #tpu.memory_space<vmem>>, vector<80x128xf32>,
    return
  }
  func.func @transform_0(%arg0: i32) -> (i32, i32, i32) {
    %c0_i32 = arith.constant 0 : i32
    %c0_i32_0 = arith.constant 0 : i32
    %c0_i32_1 = arith.constant 0 : i32
    return %c0_i32, %arg0, %c0_i32_0 : i32, i32, i32
  }
  func.func @transform_1(%arg0: i32) -> (i32, i32) {
    %c0_i32 = arith.constant 0 : i32
    %c0_i32_0 = arith.constant 0 : i32
    return %arg0, %c0_i32 : i32, i32
  }
  func.func @transform_2(%arg0: i32) -> (i32, i32) {
    %add3A = arith.constant 125 : i32
    %add3A_0 = arith.addi %add3A, %arg0 : i32
    %c0_i32 = arith.constant 0 : i32
    %c0_i32_1 = arith.constant 0 : i32
    return %add3A_0, %c0_i32 : i32, i32
  }
  func.func @transform_3(%arg0: i32) -> (i32, i32) {
    %c0_i32 = arith.constant 0 : i32
    %c0_i32_0 = arith.constant 0 : i32
    return %arg0, %c0_i32 : i32, i32
  }
  func.func @transform_4(%arg0: i32) -> (i32, i32) {
    %add3A = arith.constant 125 : i32
    %add3A_0 = arith.addi %add3A, %arg0 : i32
    %c0_i32 = arith.constant 0 : i32
    %c0_i32_1 = arith.constant 0 : i32
    return %add3A_0, %c0_i32 : i32, i32
  }
  func.func @transform_5(%arg0: i32) -> (i32, i32) {
    %c0_i32 = arith.constant 0 : i32
    %c0_i32_0 = arith.constant 0 : i32
    %c0_i32_1 = arith.constant 0 : i32
    return %c0_i32, %c0_i32_0 : i32, i32
  }
  func.func @transform_6(%arg0: i32) -> (i32, i32) {
    %c0_i32 = arith.constant 0 : i32
    %c0_i32_0 = arith.constant 0 : i32
    return %arg0, %c0_i32 : i32, i32
  }
  func.func @transform_7(%arg0: i32) -> (i32, i32) {
    %c0_i32 = arith.constant 0 : i32
    %c0_i32_0 = arith.constant 0 : i32
    return %arg0, %c0_i32 : i32, i32
  }
}

</mosaic_0001>

<sc_bundles>
// kernel: kernel.6.cloned.1.call-start
scs
__scs_entry_jumppad:
0x0: {  	(pc) =	sbr.rel $0x88, $3  }
0x1: {  	(tag) =	ssettag $0x0;
	lr =	simm.s32 $0x1  }
0x2: {  	[smem:$0x3F9B] =	sst lr;
	_ =	strace $0xD0000000  }
0x3: {  	_ = 	snop  }
0x4: {  	_ = 	snop  }
0x5: {  	_ = 	snop  }
0x6: {  	_ = 	snop  }
0x7: {  	_ = 	snop  }
__scs_overlays_trampoline_lowered:
0x8: {  	[smem:$0x3FAA] =	sst s0  }
0x9: {  	[smem:$0x3FAB] =	sst s1  }
0xa: {  	[smem:$0x3FAC] =	sst s2  }
0xb: {  	[smem:$0x3FAD] =	sst s3  }
0xc: {  	[smem:$0x3FAE] =	sst s4  }
0xd: {  	[smem:$0x3FAF] =	sst s5  }
0xe: {  	[smem:$0x3FB0] =	sst s6  }
0xf: {  	[smem:$0x3FB1] =	sst s7  }
0x10: {  	[smem:$0x3FB2] =	sst s8  }
0x11: {  	[smem:$0x3FB3] =	sst s9;
	s0 =	simm.s32 @!p0 $0x0  }
0x12: {  	s1 =	sld [smem:$0x3F99];
	s0 =	simm.s32 @p0 $0x1  }
0x13: {  	[smem:$0x3FB4] =	sst s0;
	s0 =	simm.s32 @!p1 $0x0  }
0x14: {  	s2 =	sld [smem:$0x3F98];
	s0 =	simm.s32 @p1 $0x1  }
0x15: {  	[smem:$0x3FB5] =	sst s0;
	s0 =	simm.s32 @!p2 $0x0  }
0x16: {  	s3 =	sld [smem:$0x3FDB];
	s0 =	simm.s32 @p2 $0x1  }
0x17: {  	s4 =	simm.s32 $0x1BF5;
	[smem:$0x3FB7] =	sst s0  }
0x18: {  	s0 =	sld [smem:$0x3F9A];
	_ =	swait.ge [sflag:s4], $0x0  }
0x19: {  	s7 =	sld [smem:$0x3F9B]  }
0x1a: {  	s8 =	sadd.s32 $0xFFFFE003, lr  }
0x1b: {  	s9 =	sadd.s32 $0xFFFFFEF7, lr;
	s5 =	simm.s32 $0xFFFFFFFF;
	p2 =	slt.u32 s8, $0xFFFFF086  }
0x1c: {  	p1 =	slt.u32 s9, $0xF7A;
	s5 =	simm.s32 @!p2 $0x0  }
0x1d: {  	s5 =	simm.s32 @p1 $0x1;
	p0 =	seq.s32 s7, s2  }
0x1e: {  	s7 =	smul.u32 @!p0 $0xF7A, s2;
	p2 =	seq.s32 @!p0 s5, $0x0  }
0x1f: {  	s9 =	smul.u32 $0xF7A, s1;
	s8 =	simm.s32 @!p0 $0x1BF5;
	p2 =	por !p2, p0  }
0x20: {  	[sflag:s8] =	ssyncset.s32 @!p0 $0xFFFFF086;
	s6 =	sadd.s32 @!p0 s3, s7;
	s7 =	simm.s32 @!p0 $0x108  }
0x21: {  	s3 =	sadd.s32 s3, s9;
	s6 =	sadd.s32 @!p0 $0x88, s6;
	s7 =	simm.s32 @p2 $0x1082  }
0x22: {  	[simem:s7], [sflag:s8] =	dma.local @!p0 [hbm:s6], $0xF7A  }
0x23: {  	s9 =	sor.u32 $0xD0000000, s2;
	s6 =	simm.s32 $0x108;
	_ =	swait.ge @!p0 [sflag:s8], $0x0  }
0x24: {  	s3 =	sadd.s32 $0x88, s3;
	s6 =	simm.s32 @!p1 $0x1082;
	[sflag:s4] =	ssyncset.s32 $0xFFFFF086  }
0x25: {  	[simem:s6], [sflag:s4] =	dma.local [hbm:s3], $0xF7A  }
0x26: {  	[smem:$0x3F9B] =	sst s1;
	(tag) =	ssettag s2;
	_ =	strace s9  }
0x27: {  	s1 =	sld [smem:$0x3FAB]  }
0x28: {  	s2 =	sld [smem:$0x3FAC]  }
0x29: {  	s4 =	sld [smem:$0x3FAE]  }
0x2a: {  	p0 =	seq.s32 s5, $0x0;
	s5 =	sld [smem:$0x3FAF]  }
0x2b: {  	s6 =	sld [smem:$0x3FB0]  }
0x2c: {  	s7 =	sld [smem:$0x3FB1]  }
0x2d: {  	s3 =	simm.s32 $0x108;
	s8 =	sld [smem:$0x3FB2]  }
0x2e: {  	s3 =	simm.s32 @!p0 $0x1082;
	s9 =	sld [smem:$0x3FB3]  }
0x2f: {  	lr =	sadd.s32 s0, s3;
	s0 =	sld [smem:$0x3FAA]  }
0x30: {  	s3 =	sld [smem:$0x3FAD]  }
0x31: {  	[smem:$0x3FB6] =	sst s10  }
0x32: {  	s10 =	sld [smem:$0x3FB4];
	_ =	sdelay $0x3  }
0x33: {  	p0 =	seq.s32 s10, $0x1;
	s10 =	sld [smem:$0x3FB6];
	_ =	sdelay $0x3  }
0x34: {  	[smem:$0x3FB6] =	sst s10  }
0x35: {  	s10 =	sld [smem:$0x3FB5];
	_ =	sdelay $0x3  }
0x36: {  	p1 =	seq.s32 s10, $0x1;
	s10 =	sld [smem:$0x3FB6];
	_ =	sdelay $0x3  }
0x37: {  	[smem:$0x3FB6] =	sst s10  }
0x38: {  	s10 =	sld [smem:$0x3FB7]  }
0x39: {  	_ = 	snop;
	(pc) =	sbr.ind lr, $3  }
0x3a: {  	_ = 	snop  }
0x3b: {  	_ = 	snop  }
0x3c: {  	p2 =	seq.s32 s10, $0x1;
	s10 =	sld [smem:$0x3FB6]  }
0x3d: {  	_ =	shalt  }
0x3e: {  	_ =	shalt  }
0x3f: {  	_ =	shalt  }
0x40: {  	_ =	shalt  }
0x41: {  	_ =	shalt  }
0x42: {  	_ =	shalt  }
0x43: {  	_ =	shalt  }
0x44: {  	_ =	shalt  }
0x45: {  	_ =	shalt  }
0x46: {  	_ =	shalt  }
0x47: {  	_ =	shalt  }
0x48: {  	_ =	shalt  }
0x49: {  	_ =	shalt  }
0x4a: {  	_ =	shalt  }
0x4b: {  	_ =	shalt  }
0x4c: {  	_ =	shalt  }
0x4d: {  	_ =	shalt  }
0x4e: {  	_ =	shalt  }
0x4f: {  	_ =	shalt  }
0x50: {  	_ =	shalt  }
0x51: {  	_ =	shalt  }
0x52: {  	_ =	shalt  }
0x53: {  	_ =	shalt  }
0x54: {  	_ =	shalt  }
0x55: {  	_ =	shalt  }
0x56: {  	_ =	shalt  }
0x57: {  	_ =	shalt  }
0x58: {  	_ =	shalt  }
0x59: {  	_ =	shalt  }
0x5a: {  	_ =	shalt  }
0x5b: {  	_ =	shalt  }
0x5c: {  	_ =	shalt  }
0x5d: {  	_ =	shalt  }
0x5e: {  	_ =	shalt  }
0x5f: {  	_ =	shalt  }
0x60: {  	_ =	shalt  }
0x61: {  	_ =	shalt  }
0x62: {  	_ =	shalt  }
0x63: {  	_ =	shalt  }
0x64: {  	_ =	shalt  }
0x65: {  	_ =	shalt  }
0x66: {  	_ =	shalt  }
0x67: {  	_ =	shalt  }
0x68: {  	_ =	shalt  }
0x69: {  	_ =	shalt  }
0x6a: {  	_ =	shalt  }
0x6b: {  	_ =	shalt  }
0x6c: {  	_ =	shalt  }
0x6d: {  	_ =	shalt  }
0x6e: {  	_ =	shalt  }
0x6f: {  	_ =	shalt  }
0x70: {  	_ =	shalt  }
0x71: {  	_ =	shalt  }
0x72: {  	_ =	shalt  }
0x73: {  	_ =	shalt  }
0x74: {  	_ =	shalt  }
0x75: {  	_ =	shalt  }
0x76: {  	_ =	shalt  }
0x77: {  	_ =	shalt  }
0x78: {  	_ =	shalt  }
0x79: {  	_ =	shalt  }
0x7a: {  	_ =	shalt  }
0x7b: {  	_ =	shalt  }
0x7c: {  	_ =	shalt  }
0x7d: {  	_ =	shalt  }
0x7e: {  	_ =	shalt  }
0x7f: {  	_ =	shalt  }
0x80: {  	_ =	shalt  }
0x81: {  	_ =	shalt  }
0x82: {  	_ =	shalt  }
0x83: {  	_ =	shalt  }
0x84: {  	_ =	shalt  }
0x85: {  	_ =	shalt  }
0x86: {  	_ =	shalt  }
0x87: {  	_ =	shalt  }
.Lfunc_end0:
.L_simem_size_0:
called_computation_lowered:
.L_overlay_start_0:
0x88: {  	s2 =	sld [smem:$0x3FD9]  }
0x89: {  	s3 =	sld [smem:$0x3FFE];
	_ =	sdelay $0x1  }
0x8a: {  	s1 =	srdreg.scid  }
0x8b: {  	s0 =	sand.u32 $0x1, s1  }
0x8c: {  	s14 =	sshll.u32 s0, $0xA;
	s2 =	sadd.s32 s3, s2  }
0x8d: {  	s2 =	sadd.s32 s2, s14  }
0x8e: {  	[smem:$0x3FC2] =	sst s2  }
0x8f: {  	_ = 	snop  }
0x90: {  	s2 =	sld [smem:$0x3FD0];
	_ =	sdelay $0x2  }
0x91: {  	s15 =	simm.s32 $0xA;
	s4 =	simm.s32 $0x10  }
0x92: {  	[smem:s4], [sflag:s15] =	dma.local [hbm:s2], $0x1  }
0x93: {  	_ =	swait.eq [sflag:s15], $0x1  }
0x94: {  	[sflag:s15] =	ssyncset.done $0x0  }
0x95: {  	[sflag:s15] =	ssyncadd.s32 $0xFFFFFFFF  }
0x96: {  	s16 =	sld [smem:$0x11];
	(tm) =	ssettm $0x1  }
0x97: {  	s17 =	sld [smem:$0x3FFB];
	_ =	sdelay $0x3  }
0x98: {  	_ =	strace s17  }
0x99: {  	s3 =	sld [smem:$0x3FFC];
	_ =	sdelay $0x3  }
0x9a: {  	_ =	strace s3  }
0x9b: {  	s3 =	sld [smem:$0x3FFD];
	_ =	sdelay $0x3  }
0x9c: {  	_ =	strace s3  }
0x9d: {  	_ =	strace $0x8FFFFFFF  }
0x9e: {  	s18 =	sld [smem:$0x3FDB];
	_ =	sdelay $0x1  }
0x9f: {  	s19 =	simm.s32 $_scs_section_size  }
0xa0: {  	s5 =	simm.s32 $_size__tile_overlayer_lowered;
	s6 =	simm.s32 $_tile_overlayer_lowered  }
0xa1: {  	s22 =	simm.s32 $0x1BFF;
	s21 =	sshll.u32 s6, $0x1;
	s3 =	sadd.s32 s19, s18  }
0xa2: {  	s7 =	simm.s32 $0x0;
	s20 =	sshll.u32 s5, $0x1;
	s5 =	sadd.s32 s21, s3  }
0xa3: {  	[timem:s7], [sflag:s22] =	dma.local [hbm:s5], s20  }
0xa4: {  	_ =	swait.ge [sflag:s22], s20  }
0xa5: {  	s4 =	ssub.s32 $0x0, s20;
	[sflag:s22] =	ssyncset.done $0x0  }
0xa6: {  	[sflag:s22] =	ssyncadd.s32 s4;
	_ =	sdelay $0x1  }
0xa7: {  	s23 =	simm.s32 $0x1B8B  }
0xa8: {  	_ =	swait.ge [sflag:s23], $0x1  }
0xa9: {  	[sflag:s23] =	ssyncset.done $0x0  }
0xaa: {  	s25 =	simm.s32 $0x1B8E;
	s24 =	sld [smem:$0x3FFE];
	[sflag:s23] =	ssyncadd.s32 $0xFFFFFFFF  }
0xab: {  	s26 =	simm.s32 $execute0_lowered;
	[smem:$0x3FD2] =	sst s25  }
0xac: {  	s5 =	sshll.u32 s26, $0x1;
	_ =	strace $0x80000046;
	[dreg:$0x1] =	wrdreg $0xFFFFFFFF  }
0xad: {  	s28 =	simm.s32 $_size_execute0_lowered;
	s3 =	sadd.s32 s3, s5;
	[dreg:$0x0] =	wrdreg $0x0  }
0xae: {  	s5 =	sshll.u32 s28, $0x1;
	[dreg:$0x2] =	wrdreg s3  }
0xaf: {  	[dreg:$0x3] =	wrdreg s5  }
0xb0: {  	[dreg:$0x4] =	wrdreg $0xC0  }
0xb1: {  	_ =	task [dreg:s7], $0x5FFFF  }
0xb2: {  	[dreg:$0x1] =	wrdreg $0xFFFFFFFF  }
0xb3: {  	[dreg:$0x0] =	wrdreg $0x60  }
0xb4: {  	[dreg:$0x2] =	wrdreg s16  }
0xb5: {  	[dreg:$0x3] =	wrdreg s24  }
0xb6: {  	[dreg:$0x4] =	wrdreg $0x80800  }
0xb7: {  	[dreg:$0x5] =	wrdreg $0x9  }
0xb8: {  	_ =	task.clear_ibuf [dreg:s7], $0x6FFFF;
	_ =	strace $0x90000046  }
0xb9: {  	s29 =	simm.s32 $0x9;
	_ =	strace $0x80000048  }
0xba: {  	_ =	swait.ge [sflag:s29], $0x1  }
0xbb: {  	[sflag:s29] =	ssyncadd.s32 $0xFFFFFFFF  }
0xbc: {  	_ =	strace $0x90000048  }
0xbd: {  	_ =	sfence  }
0xbe: {  	s30 =	sld [smem:$0x0];
	_ =	sdelay $0x2  }
0xbf: {  	s31 =	sshll.u32 s1, $0xD;
	s1 =	sshrl.u32 s1, $0x2  }
0xc0: {  	s3 =	sand.u32 $0x4000, s31;
	s1 =	sadd.s32 s1, s30  }
0xc1: {  	s0 =	sor.u32 s3, s0;
	s1 =	sshll.u32 s1, $0x11  }
0xc2: {  	s0 =	sor.u32 s1, s0  }
0xc3: {  	s0 =	sadd.s32 $0x8F2B, s0  }
0xc4: {  	[sflag:s0] =	ssyncadd.remote.s32 $0x1  }
0xc5: {  	_ =	sfence.sel $0xFFFF  }
0xc6: {  	[dreg:$0x0] =	wrdreg $0xFFFFFFFF;
	(pc) =	sbr.abs _section_cstart, $3  }
0xc7: {  	[dreg:$0x1] =	wrdreg $0xFFFFFFFF  }
0xc8: {  	_ =	task.clear_ibuf [dreg:s7], $0x2FFFF;
	_ =	strace $0x9FFFFFFF  }
0xc9: {  	(tm) =	ssettm $0x7FFFFFFF  }
tec
execute0_lowered:
.L_overlay_start_1:
0x0: {  	(tag) =	ssettag $0x1  }
0x1: {  	s5 =	rddreg [dreg:$0x0]  }
0x2: {  	s6 =	rddreg [dreg:$0x1]  }
0x3: {  	s2 =	rddreg [dreg:$0x2]  }
0x4: {  	s0 =	rddreg [dreg:$0x3]  }
0x5: {  	s4 =	srdreg.scid;
	s1 =	stileid.u32;
	s3 =	simm.s32 $0x0  }
0x6: {  	s13 =	simm.s32 $0x20;
	s14 =	simm.s32 $0x10;
	s15 =	simm.s32 $0x0  }
0x7: {  	s7 =	sand.u32 $0x1, s4;
	s28 =	smul.u32 $0x500, s1;
	[smem:$0x7FF] =	sst s3  }
0x8: {  	s10 =	smul.u32 $0xA00, s1;
	s31 =	sshll.u32 s1, $0xC;
	s11 =	sshll.u32 s1, $0x6  }
0x9: {  	s8 =	sshll.u32 s7, $0x7;
	_ =	strace $0x80000047;
	s9 =	ssub.s32 $0x2, s7  }
0xa: {  	s7 =	sshll.u32 s7, $0x10;
	s4 =	sor.u32 s8, s28;
	s29 =	sshrl.u32 s9, $0x1  }
0xb: {  	s30 =	sshrl.u32 s10, $0x2;
	s10 =	sadd.s32 s5, s31;
	s5 =	sor.u32 $0x1C01, s11  }
0xc: {  	s11 =	simm.s32 $0x50;
	s8 =	sshrl.u32 s4, $0x3;
	s4 =	sadd.s32 $0x2400, s6  }
0xd: {  	s9 =	ssub.s32 s9, s29;
	s12 =	sadd.s32 s30, s2;
	s8 =	sadd.s32 s8, s6  }
0xe: {  	s6 =	sadd.s32 s7, s10;
	s10 =	simm.s32 $0x1;
	s7 =	sadd.s32 $0x2600, s8  }
0xf: {  	v0 =	vimm.f32 $1.000000000e+00;
	s8 =	smax.u32 s9, $0x1;
	s9 =	sshrl.u32 s12, $0x3;
	s12 =	simm.s32 $0x8000  }
.LBB2_1:
0x10: {  	[spmem:s9], [sflag:s5] =	dma.local [hbm:s4], $0x50  }
0x11: {  	_ =	swait.ge [sflag:s10], $0x50  }
0x12: {  	[sflag:s10] =	ssyncset.done $0x0  }
0x13: {  	[sflag:s10] =	ssyncadd.s32 $0xFFFFFFB0  }
0x14: {  	[tilespmem:$0x8000] =	vst v0  }
0x15: {  	[tilespmem:$0x8010] =	vst v0  }
0x16: {  	[tilespmem:$0x8020] =	vst v0  }
0x17: {  	[tilespmem:$0x8030] =	vst v0  }
0x18: {  	[tilespmem:$0x8040] =	vst v0  }
0x19: {  	[tilespmem:s3], [sflag:$0x1] =	stream.linear.gather [hbm4b:s6+s3], $0x7D00, $0x38;
	[tilespmem:$0x8300] =	vst v63  }
0x1a: {  	_ =	swait.ge [sflag:s10], $0x7D00  }
0x1b: {  	[sflag:s10] =	ssyncset.done $0x0  }
0x1c: {  	[sflag:s10] =	ssyncadd.s32 $0xFFFF8300  }
0x1d: {  	s16 =	simm.s32 $0x0;
	[bflag:$0x0] =	sbarrier.arrive $0xFFFF  }
0x1e: {  	[spmem:s2] =	stream.indirect.scatter.add.f32 [tilespmem:s12], [sflag:$0x1], $0x1, s16, s11, $0xb8;
	[tilespmem:$0x8300] =	vst v63  }
0x1f: {  	_ =	swait.ge [sflag:s10], $0x50  }
0x20: {  	s16 =	simm.s32 $0x200;
	[sflag:s10] =	ssyncset.done $0x0  }
.LBB2_2:
0x21: {  	s17 =	sshra.s32 s16, $0x2;
	[sflag:s10] =	ssyncadd.s32 $0xFFFFFFB0;
	p0 =	sne.s32 s16, $0x1F200  }
0x22: {  	[spmem:s2] =	stream.indirect.scatter.add.f32 [tilespmem:s12], [sflag:$0x1], $0x1, s17, s11, $0xb8;
	[tilespmem:$0x8300] =	vst v63  }
.Ltmp0:
0x23: {  	_ = 	snop;
	(pc) =	sbr.rel @p0 .LBB2_2-.Ltmp0, $4  }
0x24: {  	_ = 	snop  }
0x25: {  	s16 =	sadd.s32 $0x200, s16  }
0x26: {  	_ =	swait.ge [sflag:s10], $0x50  }
0x27: {  	[sflag:s10] =	ssyncset.done $0x0  }
0x28: {  	s15 =	sadd.s32 $0x1, s15  }
0x29: {  	[sflag:s10] =	ssyncadd.s32 $0xFFFFFFB0;
	p0 =	sne.s32 s15, s8  }
.Ltmp1:
0x2a: {  	[bflag:$0x0] =	sbarrier.arrive $0xFFFF;
	(pc) =	sbr.rel @p0 .LBB2_1-.Ltmp1, $4  }
0x2b: {  	[hbm:s7@s13], [sflag:s5] =	dma.strided [spmem:s9@s14], $0x50, s10, $0x10   }
0x2c: {  	_ =	swait.ge [sflag:s10], $0x50  }
0x2d: {  	[sflag:s10] =	ssyncset.done $0x0  }
0x2e: {  	[sflag:s10] =	ssyncadd.s32 $0xFFFFFFB0  }
0x2f: {  	_ =	sfence.sel $0x180000  }
0x30: {  	[bflag:$0x0] =	sbarrier.arrive $0xFFFF  }
0x31: {  	p0 =	sne.s32 s1, $0x0;
	_ =	strace $0x90000047  }
0x32: {  	s0 =	sadd.s32 @!p0 $0x100000, s0;
	[bflag:$0x2] =	sbarrier.arrive $0xFFFF  }
0x33: {  	[sflag:s0] =	ssyncadd.tile.s32 @!p0 $0x1;
	_ =	shalt  }
.Lfunc_end2:
_tile_overlayer_lowered:
.L_overlay_start_2:
0x34: {  	(tag) =	ssettag $0x2  }
0x35: {  	s0 =	rddreg [dreg:$0x0];
	s2 =	stileid.u32  }
0x36: {  	s1 =	rddreg [dreg:$0x1];
	p0 =	sne.s32 s2, $0x0  }
0x37: {  	s3 =	rddreg [dreg:$0x2];
	[bflag:$0x3] =	sbarrier.arrive $0xFFFF;
	s2 =	simm.s32 @!p0 $0x1C01  }
0x38: {  	[timem:s3], [sflag:s2] =	dma.local @!p0 [hbm:s0], s1  }
0x39: {  	s0 =	simm.s32 @!p0 $0x1  }
0x3a: {  	_ =	swait.ge @!p0 [sflag:s0], s1  }
0x3b: {  	s1 =	ssub.s32 @!p0 $0x0, s1;
	[sflag:s0] =	ssyncset.done @!p0 $0x0  }
0x3c: {  	[sflag:s0] =	ssyncadd.s32 @!p0 s1  }
0x3d: {  	[bflag:$0x3] =	sbarrier.arrive $0xFFFF  }
0x3e: {  	_ =	shalt  }

// kernel: kernel.9.cloned.1.call-start
scs
__scs_entry_jumppad:
0x0: {  	(pc) =	sbr.rel $0x88, $3  }
0x1: {  	(tag) =	ssettag $0x0;
	lr =	simm.s32 $0x1  }
0x2: {  	[smem:$0x3F9B] =	sst lr;
	_ =	strace $0xD0000000  }
0x3: {  	_ = 	snop  }
0x4: {  	_ = 	snop  }
0x5: {  	_ = 	snop  }
0x6: {  	_ = 	snop  }
0x7: {  	_ = 	snop  }
__scs_overlays_trampoline_lowered:
0x8: {  	[smem:$0x3FAA] =	sst s0  }
0x9: {  	[smem:$0x3FAB] =	sst s1  }
0xa: {  	[smem:$0x3FAC] =	sst s2  }
0xb: {  	[smem:$0x3FAD] =	sst s3  }
0xc: {  	[smem:$0x3FAE] =	sst s4  }
0xd: {  	[smem:$0x3FAF] =	sst s5  }
0xe: {  	[smem:$0x3FB0] =	sst s6  }
0xf: {  	[smem:$0x3FB1] =	sst s7  }
0x10: {  	[smem:$0x3FB2] =	sst s8  }
0x11: {  	[smem:$0x3FB3] =	sst s9;
	s0 =	simm.s32 @!p0 $0x0  }
0x12: {  	s1 =	sld [smem:$0x3F99];
	s0 =	simm.s32 @p0 $0x1  }
0x13: {  	[smem:$0x3FB4] =	sst s0;
	s0 =	simm.s32 @!p1 $0x0  }
0x14: {  	s2 =	sld [smem:$0x3F98];
	s0 =	simm.s32 @p1 $0x1  }
0x15: {  	[smem:$0x3FB5] =	sst s0;
	s0 =	simm.s32 @!p2 $0x0  }
0x16: {  	s3 =	sld [smem:$0x3FDB];
	s0 =	simm.s32 @p2 $0x1  }
0x17: {  	s4 =	simm.s32 $0x1BF5;
	[smem:$0x3FB7] =	sst s0  }
0x18: {  	s0 =	sld [smem:$0x3F9A];
	_ =	swait.ge [sflag:s4], $0x0  }
0x19: {  	s7 =	sld [smem:$0x3F9B]  }
0x1a: {  	s8 =	sadd.s32 $0xFFFFE003, lr  }
0x1b: {  	s9 =	sadd.s32 $0xFFFFFEF7, lr;
	s5 =	simm.s32 $0xFFFFFFFF;
	p2 =	slt.u32 s8, $0xFFFFF086  }
0x1c: {  	p1 =	slt.u32 s9, $0xF7A;
	s5 =	simm.s32 @!p2 $0x0  }
0x1d: {  	s5 =	simm.s32 @p1 $0x1;
	p0 =	seq.s32 s7, s2  }
0x1e: {  	s7 =	smul.u32 @!p0 $0xF7A, s2;
	p2 =	seq.s32 @!p0 s5, $0x0  }
0x1f: {  	s9 =	smul.u32 $0xF7A, s1;
	s8 =	simm.s32 @!p0 $0x1BF5;
	p2 =	por !p2, p0  }
0x20: {  	[sflag:s8] =	ssyncset.s32 @!p0 $0xFFFFF086;
	s6 =	sadd.s32 @!p0 s3, s7;
	s7 =	simm.s32 @!p0 $0x108  }
0x21: {  	s3 =	sadd.s32 s3, s9;
	s6 =	sadd.s32 @!p0 $0x88, s6;
	s7 =	simm.s32 @p2 $0x1082  }
0x22: {  	[simem:s7], [sflag:s8] =	dma.local @!p0 [hbm:s6], $0xF7A  }
0x23: {  	s9 =	sor.u32 $0xD0000000, s2;
	s6 =	simm.s32 $0x108;
	_ =	swait.ge @!p0 [sflag:s8], $0x0  }
0x24: {  	s3 =	sadd.s32 $0x88, s3;
	s6 =	simm.s32 @!p1 $0x1082;
	[sflag:s4] =	ssyncset.s32 $0xFFFFF086  }
0x25: {  	[simem:s6], [sflag:s4] =	dma.local [hbm:s3], $0xF7A  }
0x26: {  	[smem:$0x3F9B] =	sst s1;
	(tag) =	ssettag s2;
	_ =	strace s9  }
0x27: {  	s1 =	sld [smem:$0x3FAB]  }
0x28: {  	s2 =	sld [smem:$0x3FAC]  }
0x29: {  	s4 =	sld [smem:$0x3FAE]  }
0x2a: {  	p0 =	seq.s32 s5, $0x0;
	s5 =	sld [smem:$0x3FAF]  }
0x2b: {  	s6 =	sld [smem:$0x3FB0]  }
0x2c: {  	s7 =	sld [smem:$0x3FB1]  }
0x2d: {  	s3 =	simm.s32 $0x108;
	s8 =	sld [smem:$0x3FB2]  }
0x2e: {  	s3 =	simm.s32 @!p0 $0x1082;
	s9 =	sld [smem:$0x3FB3]  }
0x2f: {  	lr =	sadd.s32 s0, s3;
	s0 =	sld [smem:$0x3FAA]  }
0x30: {  	s3 =	sld [smem:$0x3FAD]  }
0x31: {  	[smem:$0x3FB6] =	sst s10  }
0x32: {  	s10 =	sld [smem:$0x3FB4];
	_ =	sdelay $0x3  }
0x33: {  	p0 =	seq.s32 s10, $0x1;
	s10 =	sld [smem:$0x3FB6];
	_ =	sdelay $0x3  }
0x34: {  	[smem:$0x3FB6] =	sst s10  }
0x35: {  	s10 =	sld [smem:$0x3FB5];
	_ =	sdelay $0x3  }
0x36: {  	p1 =	seq.s32 s10, $0x1;
	s10 =	sld [smem:$0x3FB6];
	_ =	sdelay $0x3  }
0x37: {  	[smem:$0x3FB6] =	sst s10  }
0x38: {  	s10 =	sld [smem:$0x3FB7]  }
0x39: {  	_ = 	snop;
	(pc) =	sbr.ind lr, $3  }
0x3a: {  	_ = 	snop  }
0x3b: {  	_ = 	snop  }
0x3c: {  	p2 =	seq.s32 s10, $0x1;
	s10 =	sld [smem:$0x3FB6]  }
0x3d: {  	_ =	shalt  }
0x3e: {  	_ =	shalt  }
0x3f: {  	_ =	shalt  }
0x40: {  	_ =	shalt  }
0x41: {  	_ =	shalt  }
0x42: {  	_ =	shalt  }
0x43: {  	_ =	shalt  }
0x44: {  	_ =	shalt  }
0x45: {  	_ =	shalt  }
0x46: {  	_ =	shalt  }
0x47: {  	_ =	shalt  }
0x48: {  	_ =	shalt  }
0x49: {  	_ =	shalt  }
0x4a: {  	_ =	shalt  }
0x4b: {  	_ =	shalt  }
0x4c: {  	_ =	shalt  }
0x4d: {  	_ =	shalt  }
0x4e: {  	_ =	shalt  }
0x4f: {  	_ =	shalt  }
0x50: {  	_ =	shalt  }
0x51: {  	_ =	shalt  }
0x52: {  	_ =	shalt  }
0x53: {  	_ =	shalt  }
0x54: {  	_ =	shalt  }
0x55: {  	_ =	shalt  }
0x56: {  	_ =	shalt  }
0x57: {  	_ =	shalt  }
0x58: {  	_ =	shalt  }
0x59: {  	_ =	shalt  }
0x5a: {  	_ =	shalt  }
0x5b: {  	_ =	shalt  }
0x5c: {  	_ =	shalt  }
0x5d: {  	_ =	shalt  }
0x5e: {  	_ =	shalt  }
0x5f: {  	_ =	shalt  }
0x60: {  	_ =	shalt  }
0x61: {  	_ =	shalt  }
0x62: {  	_ =	shalt  }
0x63: {  	_ =	shalt  }
0x64: {  	_ =	shalt  }
0x65: {  	_ =	shalt  }
0x66: {  	_ =	shalt  }
0x67: {  	_ =	shalt  }
0x68: {  	_ =	shalt  }
0x69: {  	_ =	shalt  }
0x6a: {  	_ =	shalt  }
0x6b: {  	_ =	shalt  }
0x6c: {  	_ =	shalt  }
0x6d: {  	_ =	shalt  }
0x6e: {  	_ =	shalt  }
0x6f: {  	_ =	shalt  }
0x70: {  	_ =	shalt  }
0x71: {  	_ =	shalt  }
0x72: {  	_ =	shalt  }
0x73: {  	_ =	shalt  }
0x74: {  	_ =	shalt  }
0x75: {  	_ =	shalt  }
0x76: {  	_ =	shalt  }
0x77: {  	_ =	shalt  }
0x78: {  	_ =	shalt  }
0x79: {  	_ =	shalt  }
0x7a: {  	_ =	shalt  }
0x7b: {  	_ =	shalt  }
0x7c: {  	_ =	shalt  }
0x7d: {  	_ =	shalt  }
0x7e: {  	_ =	shalt  }
0x7f: {  	_ =	shalt  }
0x80: {  	_ =	shalt  }
0x81: {  	_ =	shalt  }
0x82: {  	_ =	shalt  }
0x83: {  	_ =	shalt  }
0x84: {  	_ =	shalt  }
0x85: {  	_ =	shalt  }
0x86: {  	_ =	shalt  }
0x87: {  	_ =	shalt  }
.Lfunc_end0:
.L_simem_size_0:
called_computation.1_lowered:
.L_overlay_start_0:
0x88: {  	s2 =	sld [smem:$0x3FD9]  }
0x89: {  	s3 =	sld [smem:$0x3FFE];
	_ =	sdelay $0x1  }
0x8a: {  	s1 =	srdreg.scid  }
0x8b: {  	s0 =	sand.u32 $0x1, s1  }
0x8c: {  	s14 =	sshll.u32 s0, $0xA;
	s2 =	sadd.s32 s3, s2  }
0x8d: {  	s2 =	sadd.s32 s2, s14  }
0x8e: {  	[smem:$0x3FC2] =	sst s2  }
0x8f: {  	_ = 	snop  }
0x90: {  	s2 =	sld [smem:$0x3FD0];
	_ =	sdelay $0x2  }
0x91: {  	s15 =	simm.s32 $0xA;
	s4 =	simm.s32 $0x10  }
0x92: {  	[smem:s4], [sflag:s15] =	dma.local [hbm:s2], $0x1  }
0x93: {  	_ =	swait.eq [sflag:s15], $0x1  }
0x94: {  	[sflag:s15] =	ssyncset.done $0x0  }
0x95: {  	s16 =	sld [smem:$0x10];
	[sflag:s15] =	ssyncadd.s32 $0xFFFFFFFF  }
0x96: {  	s17 =	sld [smem:$0x11];
	(tm) =	ssettm $0x1  }
0x97: {  	s18 =	sld [smem:$0x3FFB];
	_ =	sdelay $0x3  }
0x98: {  	_ =	strace s18  }
0x99: {  	s4 =	sld [smem:$0x3FFC];
	_ =	sdelay $0x3  }
0x9a: {  	_ =	strace s4  }
0x9b: {  	s4 =	sld [smem:$0x3FFD];
	_ =	sdelay $0x3  }
0x9c: {  	_ =	strace s4  }
0x9d: {  	_ =	strace $0x8FFFFFFF  }
0x9e: {  	s19 =	sld [smem:$0x3FDB];
	_ =	sdelay $0x1  }
0x9f: {  	s5 =	simm.s32 $_scs_section_size  }
0xa0: {  	s6 =	simm.s32 $_size__tile_overlayer_lowered;
	s7 =	simm.s32 $_tile_overlayer_lowered  }
0xa1: {  	s22 =	simm.s32 $0x1BFF;
	s21 =	sshll.u32 s7, $0x1;
	s4 =	sadd.s32 s5, s19  }
0xa2: {  	s8 =	simm.s32 $0x0;
	s20 =	sshll.u32 s6, $0x1;
	s6 =	sadd.s32 s21, s4  }
0xa3: {  	[timem:s8], [sflag:s22] =	dma.local [hbm:s6], s20  }
0xa4: {  	_ =	swait.ge [sflag:s22], s20  }
0xa5: {  	s5 =	ssub.s32 $0x0, s20;
	[sflag:s22] =	ssyncset.done $0x0  }
0xa6: {  	[sflag:s22] =	ssyncadd.s32 s5;
	_ =	sdelay $0x1  }
0xa7: {  	s23 =	simm.s32 $0x1B8B  }
0xa8: {  	_ =	swait.ge [sflag:s23], $0x1  }
0xa9: {  	[sflag:s23] =	ssyncset.done $0x0  }
0xaa: {  	s25 =	simm.s32 $0x1B8E;
	s24 =	sld [smem:$0x3FFE];
	[sflag:s23] =	ssyncadd.s32 $0xFFFFFFFF  }
0xab: {  	s26 =	simm.s32 $execute0_lowered;
	[smem:$0x3FD2] =	sst s25  }
0xac: {  	s6 =	sshll.u32 s26, $0x1;
	_ =	strace $0x80000049;
	[dreg:$0x1] =	wrdreg $0xFFFFFFFF  }
0xad: {  	s28 =	simm.s32 $_size_execute0_lowered;
	s4 =	sadd.s32 s4, s6;
	[dreg:$0x0] =	wrdreg $0x0  }
0xae: {  	s6 =	sshll.u32 s28, $0x1;
	[dreg:$0x2] =	wrdreg s4  }
0xaf: {  	[dreg:$0x3] =	wrdreg s6  }
0xb0: {  	[dreg:$0x4] =	wrdreg $0xC0  }
0xb1: {  	_ =	task [dreg:s8], $0x5FFFF  }
0xb2: {  	[dreg:$0x1] =	wrdreg $0xFFFFFFFF  }
0xb3: {  	[dreg:$0x0] =	wrdreg $0x60  }
0xb4: {  	[dreg:$0x2] =	wrdreg s24  }
0xb5: {  	[dreg:$0x3] =	wrdreg s16  }
0xb6: {  	[dreg:$0x4] =	wrdreg s17  }
0xb7: {  	[dreg:$0x5] =	wrdreg $0x150000  }
0xb8: {  	[dreg:$0x6] =	wrdreg $0x9  }
0xb9: {  	_ =	task.clear_ibuf [dreg:s8], $0x7FFFF;
	_ =	strace $0x90000049  }
0xba: {  	s29 =	simm.s32 $0x9;
	_ =	strace $0x8000004B  }
0xbb: {  	_ =	swait.ge [sflag:s29], $0x1  }
0xbc: {  	[sflag:s29] =	ssyncadd.s32 $0xFFFFFFFF  }
0xbd: {  	_ =	strace $0x9000004B  }
0xbe: {  	_ =	sfence  }
0xbf: {  	s30 =	sld [smem:$0x0];
	_ =	sdelay $0x2  }
0xc0: {  	s31 =	sshll.u32 s1, $0xD;
	s1 =	sshrl.u32 s1, $0x2  }
0xc1: {  	s3 =	sand.u32 $0x4000, s31;
	s1 =	sadd.s32 s1, s30  }
0xc2: {  	s0 =	sor.u32 s3, s0;
	s1 =	sshll.u32 s1, $0x11  }
0xc3: {  	s0 =	sor.u32 s1, s0  }
0xc4: {  	s0 =	sadd.s32 $0x8F2B, s0  }
0xc5: {  	[sflag:s0] =	ssyncadd.remote.s32 $0x1  }
0xc6: {  	_ =	sfence.sel $0xFFFF  }
0xc7: {  	[dreg:$0x0] =	wrdreg $0xFFFFFFFF;
	(pc) =	sbr.abs _section_cstart, $3  }
0xc8: {  	[dreg:$0x1] =	wrdreg $0xFFFFFFFF  }
0xc9: {  	_ =	task.clear_ibuf [dreg:s8], $0x2FFFF;
	_ =	strace $0x9FFFFFFF  }
0xca: {  	(tm) =	ssettm $0x7FFFFFFF  }
0xcb: {  	_ =	shalt  }
tec
execute0_lowered:
.L_overlay_start_1:
0x0: {  	(tag) =	ssettag $0x1  }
0x1: {  	s6 =	rddreg [dreg:$0x0]  }
0x2: {  	s7 =	rddreg [dreg:$0x1]  }
0x3: {  	s1 =	rddreg [dreg:$0x2]  }
0x4: {  	s2 =	rddreg [dreg:$0x3]  }
0x5: {  	s0 =	rddreg [dreg:$0x4]  }
0x6: {  	s4 =	simm.s32 $0x0;
	s3 =	srdreg.scid;
	s17 =	simm.s32 $0x50  }
0x7: {  	s18 =	simm.s32 $0x10000;
	s19 =	simm.s32 $0x80;
	s20 =	simm.s32 $0x12800  }
0x8: {  	s21 =	simm.s32 $0x1;
	s22 =	simm.s32 $0x2;
	s23 =	simm.s32 $0xFC00  }
0x9: {  	s24 =	simm.s32 $0xFC80;
	[smem:$0x7FF] =	sst s4;
	s8 =	sand.u32 $0x1, s3  }
0xa: {  	s25 =	simm.s32 $0x0;
	s3 =	stileid.u32;
	s9 =	smul.u32 $0x140000, s8  }
0xb: {  	s5 =	sadd.s32 $0x91200, s6;
	s10 =	sshll.u32 s8, $0x10;
	s12 =	smul.u32 $0xA000, s3  }
0xc: {  	s11 =	sshll.u32 s3, $0xC;
	_ =	strace $0x8000004A;
	s13 =	smul.u32 $0x29000, s3  }
0xd: {  	s8 =	ssub.s32 $0x2, s8;
	s30 =	smul.u32 $0x28000, s3;
	s15 =	sshll.u32 s3, $0x6  }
0xe: {  	s10 =	sor.u32 s11, s10;
	s29 =	sshrl.u32 s8, $0x1;
	s15 =	sor.u32 $0x1C03, s15  }
0xf: {  	s11 =	sadd.s32 s10, s6;
	s9 =	sadd.s32 s12, s9;
	s12 =	ssub.s32 s8, s29  }
0x10: {  	s31 =	sshrl.u32 s13, $0x2;
	s13 =	simm.s32 $0x3;
	s9 =	sshrl.u32 s9, $0x3  }
0x11: {  	s16 =	sadd.s32 s31, s2;
	s12 =	smax.u32 s12, $0x1;
	s14 =	sadd.s32 s9, s6  }
0x12: {  	s6 =	sadd.s32 s7, s10;
	s7 =	sadd.s32 $0x23000, s11;
	s9 =	sshrl.u32 s30, $0x2  }
0x13: {  	s10 =	sadd.s32 $0x3000, s11;
	s16 =	sshrl.u32 s16, $0x3;
	s8 =	sadd.s32 $0xDF400, s14  }
0x14: {  	s9 =	sadd.s32 s9, s2;
	s11 =	sadd.s32 $0xF3400, s14;
	s14 =	simm.s32 $0x8000  }
.LBB2_1:
0x15: {  	[tilespmem:s4], [sflag:$0x3] =	stream.linear.gather [hbm4b:s6+s4], $0x7D00, $0x38;
	[tilespmem:$0x1F400] =	vst v63  }
0x16: {  	_ =	swait.ge [sflag:s13], $0x7D00  }
0x17: {  	[sflag:s13] =	ssyncset.done $0x0  }
0x18: {  	[sflag:s13] =	ssyncadd.s32 $0xFFFF8300  }
0x19: {  	[tilespmem:s14], [sflag:$0x3] =	stream.linear.gather [hbm4b:s7+s4], $0x7D00, $0x38;
	[tilespmem:$0x1F400] =	vst v63  }
0x1a: {  	_ =	swait.ge [sflag:s13], $0x7D00  }
0x1b: {  	[sflag:s13] =	ssyncset.done $0x0  }
0x1c: {  	[sflag:s13] =	ssyncadd.s32 $0xFFFF8300  }
0x1d: {  	[spmem:s16], [sflag:s15] =	dma.local [hbm:s1], $0x1480  }
0x1e: {  	_ =	swait.ge [sflag:s13], $0x1480  }
0x1f: {  	[sflag:s13] =	ssyncset.done $0x0  }
0x20: {  	[sflag:s13] =	ssyncadd.s32 $0xFFFFEB80  }
0x21: {  	[bflag:$0x0] =	sbarrier.arrive $0xFFFF  }
0x22: {  	[tilespmem:s18], [sflag:$0x1] =	stream.indirect.gather [hbm4b:s5+s17], $0x80, s4, s17, $0xb8;
	[tilespmem:$0x1F400] =	vst v63  }
0x23: {  	_ = 	snop  }
0x24: {  	[tilespmem:s20], [sflag:$0x2] =	stream.indirect.gather [hbm4b:s5+s17], $0x80, s19, s17, $0xb8;
	[tilespmem:$0x1F400] =	vst v63  }
0x25: {  	_ =	swait.ge [sflag:s21], $0x2800  }
0x26: {  	[sflag:s21] =	ssyncset.done $0x0  }
0x27: {  	s26 =	simm.s32 $0x8000;
	[sflag:s21] =	ssyncadd.s32 $0xFFFFD800  }
0x28: {  	[spmem:s2] =	stream.indirect.scatter.add.f32 [tilespmem:s18], [sflag:$0x3], $0x80, s26, s17, $0xb8;
	[tilespmem:$0x1F400] =	vst v63  }
0x29: {  	_ =	swait.ge [sflag:s13], $0x2800  }
0x2a: {  	[sflag:s13] =	ssyncset.done $0x0  }
0x2b: {  	s30 =	simm.s32 $0x100;
	[sflag:s13] =	ssyncadd.s32 $0xFFFFD800  }
0x2c: {  	[tilespmem:s18], [sflag:$0x1] =	stream.indirect.gather [hbm4b:s5+s17], $0x80, s30, s17, $0xb8;
	[tilespmem:$0x1F400] =	vst v63  }
0x2d: {  	_ =	swait.ge [sflag:s22], $0x2800  }
0x2e: {  	[sflag:s22] =	ssyncset.done $0x0  }
0x2f: {  	s31 =	simm.s32 $0x8080;
	[sflag:s22] =	ssyncadd.s32 $0xFFFFD800  }
0x30: {  	[spmem:s2] =	stream.indirect.scatter.add.f32 [tilespmem:s20], [sflag:$0x3], $0x80, s31, s17, $0xb8;
	[tilespmem:$0x1F400] =	vst v63  }
0x31: {  	_ =	swait.ge [sflag:s13], $0x2800  }
0x32: {  	[sflag:s13] =	ssyncset.done $0x0  }
0x33: {  	s28 =	simm.s32 $0x180;
	s26 =	simm.s32 $0x400;
	[sflag:s13] =	ssyncadd.s32 $0xFFFFD800  }
.LBB2_2:
0x34: {  	[tilespmem:s20], [sflag:$0x2] =	stream.indirect.gather [hbm4b:s5+s17], $0x80, s28, s17, $0xb8;
	[tilespmem:$0x1F400] =	vst v63  }
0x35: {  	s28 =	smov.u32 s26  }
0x36: {  	p0 =	sne.s32 s26, $0x1EC00;
	s26 =	sadd.s32 $0x400, s26;
	_ =	swait.ge [sflag:s21], $0x2800  }
0x37: {  	s28 =	sshra.s32 s28, $0x2;
	[sflag:s21] =	ssyncset.done $0x0  }
0x38: {  	s29 =	sadd.s32 $0x8000, s28;
	[sflag:s21] =	ssyncadd.s32 $0xFFFFD800  }
0x39: {  	[spmem:s2] =	stream.indirect.scatter.add.f32 [tilespmem:s18], [sflag:$0x3], $0x80, s29, s17, $0xb8;
	[tilespmem:$0x1F400] =	vst v63  }
0x3a: {  	_ =	swait.ge [sflag:s13], $0x2800  }
0x3b: {  	[sflag:s13] =	ssyncset.done $0x0  }
0x3c: {  	s29 =	sadd.s32 $0x100, s28;
	[sflag:s13] =	ssyncadd.s32 $0xFFFFD800  }
0x3d: {  	[tilespmem:s18], [sflag:$0x1] =	stream.indirect.gather [hbm4b:s5+s17], $0x80, s29, s17, $0xb8;
	[tilespmem:$0x1F400] =	vst v63  }
0x3e: {  	_ =	swait.ge [sflag:s22], $0x2800  }
0x3f: {  	[sflag:s22] =	ssyncset.done $0x0  }
.Ltmp0:
0x40: {  	s29 =	sadd.s32 $0x8080, s28;
	[sflag:s22] =	ssyncadd.s32 $0xFFFFD800;
	(pc) =	sbr.rel @p0 .LBB2_2-.Ltmp0, $4  }
0x41: {  	[spmem:s2] =	stream.indirect.scatter.add.f32 [tilespmem:s20], [sflag:$0x3], $0x80, s29, s17, $0xb8;
	[tilespmem:$0x1F400] =	vst v63  }
0x42: {  	_ =	swait.ge [sflag:s13], $0x2800  }
0x43: {  	[sflag:s13] =	ssyncset.done $0x0  }
0x44: {  	s28 =	sadd.s32 $0x180, s28;
	[sflag:s13] =	ssyncadd.s32 $0xFFFFD800  }
0x45: {  	[tilespmem:s20], [sflag:$0x2] =	stream.indirect.gather [hbm4b:s5+s17], $0x80, s28, s17, $0xb8;
	[tilespmem:$0x1F400] =	vst v63  }
0x46: {  	_ =	swait.ge [sflag:s21], $0x2800  }
0x47: {  	[sflag:s21] =	ssyncset.done $0x0  }
0x48: {  	[sflag:s21] =	ssyncadd.s32 $0xFFFFD800  }
0x49: {  	[spmem:s2] =	stream.indirect.scatter.add.f32 [tilespmem:s18], [sflag:$0x3], $0x80, s23, s17, $0xb8;
	[tilespmem:$0x1F400] =	vst v63  }
0x4a: {  	_ =	swait.ge [sflag:s13], $0x2800  }
0x4b: {  	[sflag:s13] =	ssyncset.done $0x0  }
0x4c: {  	[sflag:s13] =	ssyncadd.s32 $0xFFFFD800  }
0x4d: {  	_ =	swait.ge [sflag:s22], $0x2800  }
0x4e: {  	[sflag:s22] =	ssyncset.done $0x0  }
0x4f: {  	[sflag:s22] =	ssyncadd.s32 $0xFFFFD800  }
0x50: {  	[spmem:s2] =	stream.indirect.scatter.add.f32 [tilespmem:s20], [sflag:$0x3], $0x80, s24, s17, $0xb8;
	[tilespmem:$0x1F400] =	vst v63  }
0x51: {  	_ =	swait.ge [sflag:s13], $0x2800  }
0x52: {  	[sflag:s13] =	ssyncset.done $0x0  }
0x53: {  	[sflag:s13] =	ssyncadd.s32 $0xFFFFD800  }
0x54: {  	s26 =	sshrl.u32 s9, $0x3;
	[bflag:$0x0] =	sbarrier.arrive $0xFFFF  }
0x55: {  	[hbm:s8], [sflag:s15] =	dma.local [spmem:s26], $0x1400  }
0x56: {  	_ =	swait.ge [sflag:s13], $0x1400  }
0x57: {  	[sflag:s13] =	ssyncset.done $0x0  }
0x58: {  	s28 =	simm.s32 $0x0;
	[sflag:s13] =	ssyncadd.s32 $0xFFFFEC00  }
0x59: {  	[tilespmem:s14], [sflag:$0x3] =	stream.linear.gather [hbm4b:s10+s28], $0x7D00, $0x38;
	[tilespmem:$0x1F400] =	vst v63  }
0x5a: {  	_ =	swait.ge [sflag:s13], $0x7D00  }
0x5b: {  	[sflag:s13] =	ssyncset.done $0x0  }
0x5c: {  	[sflag:s13] =	ssyncadd.s32 $0xFFFF8300  }
0x5d: {  	[spmem:s16], [sflag:s15] =	dma.local [hbm:s1], $0x1480  }
0x5e: {  	_ =	swait.ge [sflag:s13], $0x1480  }
0x5f: {  	[sflag:s13] =	ssyncset.done $0x0  }
0x60: {  	[sflag:s13] =	ssyncadd.s32 $0xFFFFEB80  }
0x61: {  	[bflag:$0x0] =	sbarrier.arrive $0xFFFF  }
0x62: {  	[tilespmem:s18], [sflag:$0x1] =	stream.indirect.gather [hbm4b:s5+s17], $0x80, s28, s17, $0xb8;
	[tilespmem:$0x1F400] =	vst v63  }
0x63: {  	_ = 	snop  }
0x64: {  	[tilespmem:s20], [sflag:$0x2] =	stream.indirect.gather [hbm4b:s5+s17], $0x80, s19, s17, $0xb8;
	[tilespmem:$0x1F400] =	vst v63  }
0x65: {  	_ =	swait.ge [sflag:s21], $0x2800  }
0x66: {  	[sflag:s21] =	ssyncset.done $0x0  }
0x67: {  	s28 =	simm.s32 $0x8000;
	[sflag:s21] =	ssyncadd.s32 $0xFFFFD800  }
0x68: {  	[spmem:s2] =	stream.indirect.scatter.add.f32 [tilespmem:s18], [sflag:$0x3], $0x80, s28, s17, $0xb8;
	[tilespmem:$0x1F400] =	vst v63  }
0x69: {  	_ =	swait.ge [sflag:s13], $0x2800  }
0x6a: {  	[sflag:s13] =	ssyncset.done $0x0  }
0x6b: {  	s28 =	simm.s32 $0x100;
	[sflag:s13] =	ssyncadd.s32 $0xFFFFD800  }
0x6c: {  	[tilespmem:s18], [sflag:$0x1] =	stream.indirect.gather [hbm4b:s5+s17], $0x80, s28, s17, $0xb8;
	[tilespmem:$0x1F400] =	vst v63  }
0x6d: {  	_ =	swait.ge [sflag:s22], $0x2800  }
0x6e: {  	[sflag:s22] =	ssyncset.done $0x0  }
0x6f: {  	s28 =	simm.s32 $0x8080;
	[sflag:s22] =	ssyncadd.s32 $0xFFFFD800  }
0x70: {  	[spmem:s2] =	stream.indirect.scatter.add.f32 [tilespmem:s20], [sflag:$0x3], $0x80, s28, s17, $0xb8;
	[tilespmem:$0x1F400] =	vst v63  }
0x71: {  	_ =	swait.ge [sflag:s13], $0x2800  }
0x72: {  	[sflag:s13] =	ssyncset.done $0x0  }
0x73: {  	s29 =	simm.s32 $0x180;
	s28 =	simm.s32 $0x400;
	[sflag:s13] =	ssyncadd.s32 $0xFFFFD800  }
.LBB2_4:
0x74: {  	[tilespmem:s20], [sflag:$0x2] =	stream.indirect.gather [hbm4b:s5+s17], $0x80, s29, s17, $0xb8;
	[tilespmem:$0x1F400] =	vst v63  }
0x75: {  	s29 =	smov.u32 s28  }
0x76: {  	p0 =	sne.s32 s28, $0x1EC00;
	s28 =	sadd.s32 $0x400, s28;
	_ =	swait.ge [sflag:s21], $0x2800  }
0x77: {  	s29 =	sshra.s32 s29, $0x2;
	[sflag:s21] =	ssyncset.done $0x0  }
0x78: {  	s30 =	sadd.s32 $0x8000, s29;
	[sflag:s21] =	ssyncadd.s32 $0xFFFFD800  }
0x79: {  	[spmem:s2] =	stream.indirect.scatter.add.f32 [tilespmem:s18], [sflag:$0x3], $0x80, s30, s17, $0xb8;
	[tilespmem:$0x1F400] =	vst v63  }
0x7a: {  	_ =	swait.ge [sflag:s13], $0x2800  }
0x7b: {  	[sflag:s13] =	ssyncset.done $0x0  }
0x7c: {  	s30 =	sadd.s32 $0x100, s29;
	[sflag:s13] =	ssyncadd.s32 $0xFFFFD800  }
0x7d: {  	[tilespmem:s18], [sflag:$0x1] =	stream.indirect.gather [hbm4b:s5+s17], $0x80, s30, s17, $0xb8;
	[tilespmem:$0x1F400] =	vst v63  }
0x7e: {  	_ =	swait.ge [sflag:s22], $0x2800  }
0x7f: {  	[sflag:s22] =	ssyncset.done $0x0  }
.Ltmp1:
0x80: {  	s30 =	sadd.s32 $0x8080, s29;
	[sflag:s22] =	ssyncadd.s32 $0xFFFFD800;
	(pc) =	sbr.rel @p0 .LBB2_4-.Ltmp1, $4  }
0x81: {  	[spmem:s2] =	stream.indirect.scatter.add.f32 [tilespmem:s20], [sflag:$0x3], $0x80, s30, s17, $0xb8;
	[tilespmem:$0x1F400] =	vst v63  }
0x82: {  	_ =	swait.ge [sflag:s13], $0x2800  }
0x83: {  	[sflag:s13] =	ssyncset.done $0x0  }
0x84: {  	s29 =	sadd.s32 $0x180, s29;
	[sflag:s13] =	ssyncadd.s32 $0xFFFFD800  }
0x85: {  	[tilespmem:s20], [sflag:$0x2] =	stream.indirect.gather [hbm4b:s5+s17], $0x80, s29, s17, $0xb8;
	[tilespmem:$0x1F400] =	vst v63  }
0x86: {  	_ =	swait.ge [sflag:s21], $0x2800  }
0x87: {  	[sflag:s21] =	ssyncset.done $0x0  }
0x88: {  	[sflag:s21] =	ssyncadd.s32 $0xFFFFD800  }
0x89: {  	[spmem:s2] =	stream.indirect.scatter.add.f32 [tilespmem:s18], [sflag:$0x3], $0x80, s23, s17, $0xb8;
	[tilespmem:$0x1F400] =	vst v63  }
0x8a: {  	_ =	swait.ge [sflag:s13], $0x2800  }
0x8b: {  	[sflag:s13] =	ssyncset.done $0x0  }
0x8c: {  	[sflag:s13] =	ssyncadd.s32 $0xFFFFD800  }
0x8d: {  	_ =	swait.ge [sflag:s22], $0x2800  }
0x8e: {  	[sflag:s22] =	ssyncset.done $0x0  }
0x8f: {  	[sflag:s22] =	ssyncadd.s32 $0xFFFFD800  }
0x90: {  	[spmem:s2] =	stream.indirect.scatter.add.f32 [tilespmem:s20], [sflag:$0x3], $0x80, s24, s17, $0xb8;
	[tilespmem:$0x1F400] =	vst v63  }
0x91: {  	_ =	swait.ge [sflag:s13], $0x2800  }
0x92: {  	s25 =	sadd.s32 $0x1, s25;
	[sflag:s13] =	ssyncset.done $0x0  }
0x93: {  	p0 =	sne.s32 s25, s12;
	[sflag:s13] =	ssyncadd.s32 $0xFFFFD800  }
.Ltmp2:
0x94: {  	[bflag:$0x0] =	sbarrier.arrive $0xFFFF;
	(pc) =	sbr.rel @p0 .LBB2_1-.Ltmp2, $4  }
0x95: {  	[hbm:s11], [sflag:s15] =	dma.local [spmem:s26], $0x1400  }
0x96: {  	_ =	swait.ge [sflag:s13], $0x1400  }
0x97: {  	[sflag:s13] =	ssyncset.done $0x0  }
0x98: {  	[sflag:s13] =	ssyncadd.s32 $0xFFFFEC00  }
0x99: {  	_ =	sfence.sel $0x180000  }
0x9a: {  	[bflag:$0x0] =	sbarrier.arrive $0xFFFF  }
0x9b: {  	p0 =	sne.s32 s3, $0x0;
	_ =	strace $0x9000004A  }
0x9c: {  	s0 =	sadd.s32 @!p0 $0x100000, s0;
	[bflag:$0x2] =	sbarrier.arrive $0xFFFF  }
0x9d: {  	[sflag:s0] =	ssyncadd.tile.s32 @!p0 $0x1;
	_ =	shalt  }
.Lfunc_end2:
_tile_overlayer_lowered:
.L_overlay_start_2:
0x9e: {  	(tag) =	ssettag $0x2  }
0x9f: {  	s0 =	rddreg [dreg:$0x0];
	s2 =	stileid.u32  }
0xa0: {  	s1 =	rddreg [dreg:$0x1];
	p0 =	sne.s32 s2, $0x0  }
0xa1: {  	s3 =	rddreg [dreg:$0x2];
	[bflag:$0x3] =	sbarrier.arrive $0xFFFF;
	s2 =	simm.s32 @!p0 $0x1C03  }
0xa2: {  	[timem:s3], [sflag:s2] =	dma.local @!p0 [hbm:s0], s1  }
0xa3: {  	s0 =	simm.s32 @!p0 $0x3  }
0xa4: {  	_ =	swait.ge @!p0 [sflag:s0], s1  }
0xa5: {  	s1 =	ssub.s32 @!p0 $0x0, s1;
	[sflag:s0] =	ssyncset.done @!p0 $0x0  }
0xa6: {  	[sflag:s0] =	ssyncadd.s32 @!p0 s1  }
0xa7: {  	[bflag:$0x3] =	sbarrier.arrive $0xFFFF  }
0xa8: {  	_ =	shalt  }

</sc_bundles>
